<compile_context>
chip_gen: v7x
topology: tpu7x:2x2x1
jax: 0.10.2.dev20260603
libtpu: 0.0.44.dev20260713+nightly
codegen_flags: <defaults>
</compile_context>

<pallas_src>
import jax
import jax.numpy as jnp
from jax import lax
from jax.experimental import pallas as pl
from jax.experimental.pallas import tpu as pltpu
from jax.experimental.pallas import tpu_sc as plsc

_NUM_FIELDS = 26
_BATCH = 4096
_MAX_SIZE = 1000
_NC = 2
_NS = 16
_NW = _NC * _NS
_RPW = _BATCH // _NW
_CROWS = 32
_NCHUNK = _RPW // _CROWS
_NBUF = 3
_L = 16

_N_SC = 4
_N_TC = _NUM_FIELDS - _N_SC
_TC_ROWS = 256



def _zero_buf(zb):
    zeros = jnp.zeros((_L,), jnp.float32)

    def row_body(r, carry):
        def col_body(j, c2):
            zb[r, pl.ds(j * 64, _L)] = zeros
            zb[r, pl.ds(j * 64 + 16, _L)] = zeros
            zb[r, pl.ds(j * 64 + 32, _L)] = zeros
            zb[r, pl.ds(j * 64 + 48, _L)] = zeros
            return c2

        lax.fori_loop(0, 15, col_body, 0)
        zb[r, pl.ds(960, _L)] = zeros
        zb[r, pl.ds(976, _L)] = zeros
        zb[r, pl.ds(984, _L)] = zeros
        return carry

    lax.fori_loop(0, _CROWS, row_body, 0)


def _poke(zb, fidx, f, c, on):
    iota = lax.iota(jnp.int32, _L)
    val = jnp.full((_L,), 1.0 if on else 0.0, jnp.float32)
    for j in range(_CROWS // _L):
        rows = iota + (j * _L)
        cols = fidx[f, pl.ds(c * _CROWS + j * _L, _L)]
        plsc.store_scatter(zb, [rows, cols], val)


def _make_sc(n):
    def body(*refs):
        ins = refs[:n]
        outs = refs[n:2 * n]
        sc = refs[2 * n:]
        zbufs = sc[:_NBUF]
        fidx = sc[_NBUF]
        isem = sc[_NBUF + 1]
        sems = sc[_NBUF + 2:_NBUF + 2 + _NBUF]

        wid = lax.axis_index("s") * _NC + lax.axis_index("c")
        base = wid * _RPW

        idx_copies = [
            pltpu.async_copy(ins[f].at[pl.ds(base, _RPW)], fidx.at[f], isem)
            for f in range(n)
        ]

        for b in range(_NBUF):
            _zero_buf(zbufs[b])

        for cp in idx_copies:
            cp.wait()

        handles = [None] * _NBUF
        prev = [None] * _NBUF
        for g in range(n * _NCHUNK):
            f, c = divmod(g, _NCHUNK)
            s = g % _NBUF
            zb = zbufs[s]
            if handles[s] is not None:
                handles[s].wait()
                pf, pc = prev[s]
                _poke(zb, fidx, pf, pc, on=False)
            _poke(zb, fidx, f, c, on=True)
            rb = base + c * _CROWS
            handles[s] = pltpu.async_copy(
                zb, outs[f].at[pl.ds(rb, _CROWS)], sems[s])
            prev[s] = (f, c)
        for s in range(_NBUF):
            if handles[s] is not None:
                handles[s].wait()

    return pl.kernel(
        body,
        mesh=plsc.VectorSubcoreMesh(core_axis_name="c", subcore_axis_name="s"),
        cost_estimate=pl.CostEstimate(
            flops=0, transcendentals=0,
            bytes_accessed=n * _BATCH * _MAX_SIZE * 4),
        compiler_params=pltpu.CompilerParams(
            use_tc_tiling_on_sc=False, needs_layout_passes=False),
        out_type=tuple(
            jax.ShapeDtypeStruct((_BATCH, _MAX_SIZE), jnp.float32)
            for _ in range(n)
        ),
        scratch_types=(
            [pltpu.VMEM((_CROWS, _MAX_SIZE), jnp.float32) for _ in range(_NBUF)]
            + [pltpu.VMEM((n, _RPW), jnp.int32)]
            + [pltpu.SemaphoreType.DMA] * (1 + _NBUF)
        ),
    )


_sc_call = _make_sc(_N_SC) if _N_SC else None



def _make_tc(n):
    def body(idx_ref, *outs):
        cols = lax.broadcasted_iota(jnp.int32, (_TC_ROWS, _MAX_SIZE), 1)
        idxs = idx_ref[...]
        for f in range(n):
            outs[f][...] = (cols == idxs[:, f:f + 1]).astype(jnp.float32)

    return pl.pallas_call(
        body,
        grid=(_BATCH // _TC_ROWS,),
        in_specs=[pl.BlockSpec((_TC_ROWS, n), lambda i: (i, 0))],
        out_specs=[pl.BlockSpec((_TC_ROWS, _MAX_SIZE), lambda i: (i, 0))] * n,
        out_shape=[jax.ShapeDtypeStruct((_BATCH, _MAX_SIZE), jnp.float32)] * n,
        compiler_params=pltpu.CompilerParams(
            vmem_limit_bytes=120 * 1024 * 1024),
    )


_TC_GROUP = 26

_tc_calls = {}
if _N_TC:
    for _g0 in range(0, _N_TC, _TC_GROUP):
        _gn = min(_TC_GROUP, _N_TC - _g0)
        if _gn not in _tc_calls:
            _tc_calls[_gn] = _make_tc(_gn)


def kernel(f0, f1, f2, f3, f4, f5, f6, f7, f8, f9, f10, f11, f12, f13,
           f14, f15, f16, f17, f18, f19, f20, f21, f22, f23, f24, f25):
    fields = (f0, f1, f2, f3, f4, f5, f6, f7, f8, f9, f10, f11, f12, f13,
              f14, f15, f16, f17, f18, f19, f20, f21, f22, f23, f24, f25)
    fields = tuple(jnp.asarray(f, dtype=jnp.int32) for f in fields)
    outs_tc = []
    for g0 in range(0, _N_TC, _TC_GROUP):
        grp = fields[g0:min(g0 + _TC_GROUP, _N_TC)]
        stacked = jnp.stack(grp, axis=1)
        outs_tc.extend(_tc_calls[len(grp)](stacked))
    outs_sc = _sc_call(*fields[_N_TC:]) if _N_SC else ()
    return tuple(outs_tc) + tuple(outs_sc)

# --- scband reference (transcript-rebuilt; emitter-appended) ---
"""Pipeline reference for scband-one-hot-encoding-collection-51419348468088 (READ-ONLY COPY).

The authoritative reference and input builder live on the scoring server;
editing this copy changes nothing except your own understanding.
"""

import jax, jax.numpy as jnp
import numpy as np

NUM_FIELDS = 26
BATCH = 4096
MAX_SIZE = 1000


def _one_hot_scatter(x, max_size):
    # Faithful to torch: result = zeros(*x.shape, maxSize); result.scatter_(-1, x.unsqueeze(-1), 1.0)
    res = jnp.zeros(x.shape + (max_size,), dtype=jnp.float32)
    rows = jnp.arange(x.shape[0])
    return res.at[rows, x].set(1.0)


def setup_inputs(seed: int = 0) -> dict:
    key = jax.random.key(seed)
    inputs = {}
    for i in range(NUM_FIELDS):
        k = jax.random.fold_in(key, i)
        inputs[f"f{i}"] = jax.random.randint(k, (BATCH,), 0, MAX_SIZE, dtype=jnp.int64 if jax.config.jax_enable_x64 else jnp.int32)
    return inputs


def reference(f0, f1, f2, f3, f4, f5, f6, f7, f8, f9, f10, f11, f12, f13,
              f14, f15, f16, f17, f18, f19, f20, f21, f22, f23, f24, f25):
    # OneHotEncodingCollection.forward: iterate fields in order, one-hot encode each, return list
    fields = (f0, f1, f2, f3, f4, f5, f6, f7, f8, f9, f10, f11, f12, f13,
              f14, f15, f16, f17, f18, f19, f20, f21, f22, f23, f24, f25)
    embeds = []
    for i in range(NUM_FIELDS):
        embeds.append(_one_hot_scatter(fields[i], MAX_SIZE))
    return tuple(embeds)

if __name__ == "__main__":
    import jax
    _d = setup_inputs()
    print(jax.jit(kernel)(*tuple(_d.values())))

</pallas_src>

<mosaic_0001>
#map = affine_map<(d0, d1) -> (0)>
#map1 = affine_map<(d0, d1) -> (0, 0)>
module attributes {stable_mosaic.version = 14 : i64} {
  func.func @body(%arg0: i32, %arg1: i32, %arg2: memref<4096xi32, #tpu.memory_space<hbm>>, %arg3: memref<4096xi32, #tpu.memory_space<hbm>>, %arg4: memref<4096xi32, #tpu.memory_space<hbm>>, %arg5: memref<4096xi32, #tpu.memory_space<hbm>>, %arg6: memref<4096x1000xf32, #tpu.memory_space<hbm>>, %arg7: memref<4096x1000xf32, #tpu.memory_space<hbm>>, %arg8: memref<4096x1000xf32, #tpu.memory_space<hbm>>, %arg9: memref<4096x1000xf32, #tpu.memory_space<hbm>>, %arg10: memref<32x1000xf32, #tpu.memory_space<vmem>>, %arg11: memref<32x1000xf32, #tpu.memory_space<vmem>>, %arg12: memref<32x1000xf32, #tpu.memory_space<vmem>>, %arg13: memref<4x128xi32, #tpu.memory_space<vmem>>, %arg14: memref<!tpu.dma_semaphore, #tpu.memory_space<semaphore_mem>>, %arg15: memref<!tpu.dma_semaphore, #tpu.memory_space<semaphore_mem>>, %arg16: memref<!tpu.dma_semaphore, #tpu.memory_space<semaphore_mem>>, %arg17: memref<!tpu.dma_semaphore, #tpu.memory_space<semaphore_mem>>) attributes {dimension_semantics = [#tpu.dimension_semantics<core_parallel>, #tpu.dimension_semantics<subcore_parallel>], iteration_bounds = array<i64: 2, 16>, scalar_prefetch = 0 : i64, scratch_operands = 8 : i64, tpu.core_type = #tpu.core_type<sc_vector_subcore>, window_params = [{transform_indices = #map}, {transform_indices = #map}, {transform_indices = #map}, {transform_indices = #map}, {transform_indices = #map1}, {transform_indices = #map1}, {transform_indices = #map1}, {transform_indices = #map1}]} {
    %mul3A = arith.constant 2 : i32
    %mul3A_0 = arith.muli %arg1, %mul3A : i32
    %add3A = arith.addi %mul3A_0, %arg0 : i32
    %mul3A_1 = arith.constant 128 : i32
    %mul3A_2 = arith.muli %add3A, %mul3A_1 : i32
    %dma_start3A = arith.constant 0 : i32
    %dma_start3A_3 = arith.constant 0 : i32
    %dma_start3A_4 = tpu.memref_slice %arg13[%dma_start3A, %dma_start3A_3] : memref<4x128xi32, #tpu.memory_space<vmem>> -> memref<1x128xi32, #tpu.memory_space<vmem>>
    %dma_start3A_5 = tpu.memref_squeeze %dma_start3A_4 : memref<1x128xi32, #tpu.memory_space<vmem>> -> memref<128xi32, #tpu.memory_space<vmem>>
    %dma_start3A_6 = tpu.memref_slice %arg2[%mul3A_2] : memref<4096xi32, #tpu.memory_space<hbm>> -> memref<128xi32, #tpu.memory_space<hbm>>
    %dma_start3A_7 = arith.constant 0 : i32
    %dma_start3A_8 = tpu.memref_slice %arg13[%dma_start3A, %dma_start3A_7] : memref<4x128xi32, #tpu.memory_space<vmem>> -> memref<1x128xi32, #tpu.memory_space<vmem>>
    %dma_start3A_9 = tpu.memref_squeeze %dma_start3A_8 : memref<1x128xi32, #tpu.memory_space<vmem>> -> memref<128xi32, #tpu.memory_space<vmem>>
    %dma_start3A_10 = tpu.memref_slice %arg2[%mul3A_2] : memref<4096xi32, #tpu.memory_space<hbm>> -> memref<128xi32, #tpu.memory_space<hbm>>
    tpu.enqueue_dma source(%dma_start3A_10 : memref<128xi32, #tpu.memory_space<hbm>>) target(%dma_start3A_9 : memref<128xi32, #tpu.memory_space<vmem>>) target_semaphore(%arg14 : memref<!tpu.dma_semaphore, #tpu.memory_space<semaphore_mem>>)
    %dma_start3A_11 = arith.constant 1 : i32
    %dma_start3A_12 = arith.constant 0 : i32
    %dma_start3A_13 = tpu.memref_slice %arg13[%dma_start3A_11, %dma_start3A_12] : memref<4x128xi32, #tpu.memory_space<vmem>> -> memref<1x128xi32, #tpu.memory_space<vmem>>
    %dma_start3A_14 = tpu.memref_squeeze %dma_start3A_13 : memref<1x128xi32, #tpu.memory_space<vmem>> -> memref<128xi32, #tpu.memory_space<vmem>>
    %dma_start3A_15 = tpu.memref_slice %arg3[%mul3A_2] : memref<4096xi32, #tpu.memory_space<hbm>> -> memref<128xi32, #tpu.memory_space<hbm>>
    %dma_start3A_16 = arith.constant 0 : i32
    %dma_start3A_17 = tpu.memref_slice %arg13[%dma_start3A_11, %dma_start3A_16] : memref<4x128xi32, #tpu.memory_space<vmem>> -> memref<1x128xi32, #tpu.memory_space<vmem>>
    %dma_start3A_18 = tpu.memref_squeeze %dma_start3A_17 : memref<1x128xi32, #tpu.memory_space<vmem>> -> memref<128xi32, #tpu.memory_space<vmem>>
    %dma_start3A_19 = tpu.memref_slice %arg3[%mul3A_2] : memref<4096xi32, #tpu.memory_space<hbm>> -> memref<128xi32, #tpu.memory_space<hbm>>
    tpu.enqueue_dma source(%dma_start3A_19 : memref<128xi32, #tpu.memory_space<hbm>>) target(%dma_start3A_18 : memref<128xi32, #tpu.memory_space<vmem>>) target_semaphore(%arg14 : memref<!tpu.dma_semaphore, #tpu.memory_space<semaphore_mem>>)
    %dma_start3A_20 = arith.constant 2 : i32
    %dma_start3A_21 = arith.constant 0 : i32
    %dma_start3A_22 = tpu.memref_slice %arg13[%dma_start3A_20, %dma_start3A_21] : memref<4x128xi32, #tpu.memory_space<vmem>> -> memref<1x128xi32, #tpu.memory_space<vmem>>
    %dma_start3A_23 = tpu.memref_squeeze %dma_start3A_22 : memref<1x128xi32, #tpu.memory_space<vmem>> -> memref<128xi32, #tpu.memory_space<vmem>>
    %dma_start3A_24 = tpu.memref_slice %arg4[%mul3A_2] : memref<4096xi32, #tpu.memory_space<hbm>> -> memref<128xi32, #tpu.memory_space<hbm>>
    %dma_start3A_25 = arith.constant 0 : i32
    %dma_start3A_26 = tpu.memref_slice %arg13[%dma_start3A_20, %dma_start3A_25] : memref<4x128xi32, #tpu.memory_space<vmem>> -> memref<1x128xi32, #tpu.memory_space<vmem>>
    %dma_start3A_27 = tpu.memref_squeeze %dma_start3A_26 : memref<1x128xi32, #tpu.memory_space<vmem>> -> memref<128xi32, #tpu.memory_space<vmem>>
    %dma_start3A_28 = tpu.memref_slice %arg4[%mul3A_2] : memref<4096xi32, #tpu.memory_space<hbm>> -> memref<128xi32, #tpu.memory_space<hbm>>
    tpu.enqueue_dma source(%dma_start3A_28 : memref<128xi32, #tpu.memory_space<hbm>>) target(%dma_start3A_27 : memref<128xi32, #tpu.memory_space<vmem>>) target_semaphore(%arg14 : memref<!tpu.dma_semaphore, #tpu.memory_space<semaphore_mem>>)
    %dma_start3A_29 = arith.constant 3 : i32
    %dma_start3A_30 = arith.constant 0 : i32
    %dma_start3A_31 = tpu.memref_slice %arg13[%dma_start3A_29, %dma_start3A_30] : memref<4x128xi32, #tpu.memory_space<vmem>> -> memref<1x128xi32, #tpu.memory_space<vmem>>
    %dma_start3A_32 = tpu.memref_squeeze %dma_start3A_31 : memref<1x128xi32, #tpu.memory_space<vmem>> -> memref<128xi32, #tpu.memory_space<vmem>>
    %dma_start3A_33 = tpu.memref_slice %arg5[%mul3A_2] : memref<4096xi32, #tpu.memory_space<hbm>> -> memref<128xi32, #tpu.memory_space<hbm>>
    %dma_start3A_34 = arith.constant 0 : i32
    %dma_start3A_35 = tpu.memref_slice %arg13[%dma_start3A_29, %dma_start3A_34] : memref<4x128xi32, #tpu.memory_space<vmem>> -> memref<1x128xi32, #tpu.memory_space<vmem>>
    %dma_start3A_36 = tpu.memref_squeeze %dma_start3A_35 : memref<1x128xi32, #tpu.memory_space<vmem>> -> memref<128xi32, #tpu.memory_space<vmem>>
    %dma_start3A_37 = tpu.memref_slice %arg5[%mul3A_2] : memref<4096xi32, #tpu.memory_space<hbm>> -> memref<128xi32, #tpu.memory_space<hbm>>
    tpu.enqueue_dma source(%dma_start3A_37 : memref<128xi32, #tpu.memory_space<hbm>>) target(%dma_start3A_36 : memref<128xi32, #tpu.memory_space<vmem>>) target_semaphore(%arg14 : memref<!tpu.dma_semaphore, #tpu.memory_space<semaphore_mem>>)
    %broadcast_in_dim3A = arith.constant 0.000000e+00 : f32
    %broadcast_in_dim3A_38 = vector.broadcast %broadcast_in_dim3A : f32 to vector<16xf32>
    %scan3A = arith.constant 0 : i32
    %scan3A_39 = arith.constant 0 : i32
    %scan3A_40 = arith.constant 32 : i32
    %scan3A_41 = arith.addi %scan3A_39, %scan3A_40 : i32
    %scan3A_42 = arith.constant 1 : i32
    scf.for %scan3A_746 = %scan3A_39 to %scan3A_41 step %scan3A_42  : i32 {
      %scan3A_747 = arith.constant 0 : i32
      %scan3A_748 = arith.constant 0 : i32
      %scan3A_749 = arith.constant 15 : i32
      %scan3A_750 = arith.addi %scan3A_748, %scan3A_749 : i32
      %scan3A_751 = arith.constant 1 : i32
      scf.for %scan3A_761 = %scan3A_748 to %scan3A_750 step %scan3A_751  : i32 {
        %mul3A_762 = arith.constant 64 : i32
        %mul3A_763 = arith.muli %scan3A_761, %mul3A_762 : i32
        %swap3A_764 = arith.index_cast %scan3A_746 : i32 to index
        %swap3A_765 = arith.index_cast %mul3A_763 : i32 to index
        %swap3A_766 = tpu.vector_load %arg10[%swap3A_764, %swap3A_765] {strides = array<i32>} : memref<32x1000xf32, #tpu.memory_space<vmem>>, vector<16xf32>,
        tpu.vector_store %arg10[%swap3A_764, %swap3A_765], %broadcast_in_dim3A_38 {strides = array<i32>} : memref<32x1000xf32, #tpu.memory_space<vmem>>, vector<16xf32>,
        %mul3A_767 = arith.constant 64 : i32
        %mul3A_768 = arith.muli %scan3A_761, %mul3A_767 : i32
        %add3A_769 = arith.constant 16 : i32
        %add3A_770 = arith.addi %mul3A_768, %add3A_769 : i32
        %swap3A_771 = arith.index_cast %scan3A_746 : i32 to index
        %swap3A_772 = arith.index_cast %add3A_770 : i32 to index
        %swap3A_773 = tpu.vector_load %arg10[%swap3A_771, %swap3A_772] {strides = array<i32>} : memref<32x1000xf32, #tpu.memory_space<vmem>>, vector<16xf32>,
        tpu.vector_store %arg10[%swap3A_771, %swap3A_772], %broadcast_in_dim3A_38 {strides = array<i32>} : memref<32x1000xf32, #tpu.memory_space<vmem>>, vector<16xf32>,
        %mul3A_774 = arith.constant 64 : i32
        %mul3A_775 = arith.muli %scan3A_761, %mul3A_774 : i32
        %add3A_776 = arith.constant 32 : i32
        %add3A_777 = arith.addi %mul3A_775, %add3A_776 : i32
        %swap3A_778 = arith.index_cast %scan3A_746 : i32 to index
        %swap3A_779 = arith.index_cast %add3A_777 : i32 to index
        %swap3A_780 = tpu.vector_load %arg10[%swap3A_778, %swap3A_779] {strides = array<i32>} : memref<32x1000xf32, #tpu.memory_space<vmem>>, vector<16xf32>,
        tpu.vector_store %arg10[%swap3A_778, %swap3A_779], %broadcast_in_dim3A_38 {strides = array<i32>} : memref<32x1000xf32, #tpu.memory_space<vmem>>, vector<16xf32>,
        %mul3A_781 = arith.constant 64 : i32
        %mul3A_782 = arith.muli %scan3A_761, %mul3A_781 : i32
        %add3A_783 = arith.constant 48 : i32
        %add3A_784 = arith.addi %mul3A_782, %add3A_783 : i32
        %swap3A_785 = arith.index_cast %scan3A_746 : i32 to index
        %swap3A_786 = arith.index_cast %add3A_784 : i32 to index
        %swap3A_787 = tpu.vector_load %arg10[%swap3A_785, %swap3A_786] {strides = array<i32>} : memref<32x1000xf32, #tpu.memory_space<vmem>>, vector<16xf32>,
        tpu.vector_store %arg10[%swap3A_785, %swap3A_786], %broadcast_in_dim3A_38 {strides = array<i32>} : memref<32x1000xf32, #tpu.memory_space<vmem>>, vector<16xf32>,
      }
      %scan3A_752 = arith.constant 15 : i32
      %swap3A = arith.index_cast %scan3A_746 : i32 to index
      %swap3A_753 = arith.constant 960 : index
      %swap3A_754 = tpu.vector_load %arg10[%swap3A, %swap3A_753] {strides = array<i32>} : memref<32x1000xf32, #tpu.memory_space<vmem>>, vector<16xf32>,
      tpu.vector_store %arg10[%swap3A, %swap3A_753], %broadcast_in_dim3A_38 {strides = array<i32>} : memref<32x1000xf32, #tpu.memory_space<vmem>>, vector<16xf32>,
      %swap3A_755 = arith.index_cast %scan3A_746 : i32 to index
      %swap3A_756 = arith.constant 976 : index
      %swap3A_757 = tpu.vector_load %arg10[%swap3A_755, %swap3A_756] {strides = array<i32>} : memref<32x1000xf32, #tpu.memory_space<vmem>>, vector<16xf32>,
      tpu.vector_store %arg10[%swap3A_755, %swap3A_756], %broadcast_in_dim3A_38 {strides = array<i32>} : memref<32x1000xf32, #tpu.memory_space<vmem>>, vector<16xf32>,
      %swap3A_758 = arith.index_cast %scan3A_746 : i32 to index
      %swap3A_759 = arith.constant 984 : index
      %swap3A_760 = tpu.vector_load %arg10[%swap3A_758, %swap3A_759] {strides = array<i32>} : memref<32x1000xf32, #tpu.memory_space<vmem>>, vector<16xf32>,
      tpu.vector_store %arg10[%swap3A_758, %swap3A_759], %broadcast_in_dim3A_38 {strides = array<i32>} : memref<32x1000xf32, #tpu.memory_space<vmem>>, vector<16xf32>,
    }
    %scan3A_43 = arith.constant 32 : i32
    %broadcast_in_dim3A_44 = arith.constant 0.000000e+00 : f32
    %broadcast_in_dim3A_45 = vector.broadcast %broadcast_in_dim3A_44 : f32 to vector<16xf32>
    %scan3A_46 = arith.constant 0 : i32
    %scan3A_47 = arith.constant 0 : i32
    %scan3A_48 = arith.constant 32 : i32
    %scan3A_49 = arith.addi %scan3A_47, %scan3A_48 : i32
    %scan3A_50 = arith.constant 1 : i32
    scf.for %scan3A_746 = %scan3A_47 to %scan3A_49 step %scan3A_50  : i32 {
      %scan3A_747 = arith.constant 0 : i32
      %scan3A_748 = arith.constant 0 : i32
      %scan3A_749 = arith.constant 15 : i32
      %scan3A_750 = arith.addi %scan3A_748, %scan3A_749 : i32
      %scan3A_751 = arith.constant 1 : i32
      scf.for %scan3A_761 = %scan3A_748 to %scan3A_750 step %scan3A_751  : i32 {
        %mul3A_762 = arith.constant 64 : i32
        %mul3A_763 = arith.muli %scan3A_761, %mul3A_762 : i32
        %swap3A_764 = arith.index_cast %scan3A_746 : i32 to index
        %swap3A_765 = arith.index_cast %mul3A_763 : i32 to index
        %swap3A_766 = tpu.vector_load %arg11[%swap3A_764, %swap3A_765] {strides = array<i32>} : memref<32x1000xf32, #tpu.memory_space<vmem>>, vector<16xf32>,
        tpu.vector_store %arg11[%swap3A_764, %swap3A_765], %broadcast_in_dim3A_45 {strides = array<i32>} : memref<32x1000xf32, #tpu.memory_space<vmem>>, vector<16xf32>,
        %mul3A_767 = arith.constant 64 : i32
        %mul3A_768 = arith.muli %scan3A_761, %mul3A_767 : i32
        %add3A_769 = arith.constant 16 : i32
        %add3A_770 = arith.addi %mul3A_768, %add3A_769 : i32
        %swap3A_771 = arith.index_cast %scan3A_746 : i32 to index
        %swap3A_772 = arith.index_cast %add3A_770 : i32 to index
        %swap3A_773 = tpu.vector_load %arg11[%swap3A_771, %swap3A_772] {strides = array<i32>} : memref<32x1000xf32, #tpu.memory_space<vmem>>, vector<16xf32>,
        tpu.vector_store %arg11[%swap3A_771, %swap3A_772], %broadcast_in_dim3A_45 {strides = array<i32>} : memref<32x1000xf32, #tpu.memory_space<vmem>>, vector<16xf32>,
        %mul3A_774 = arith.constant 64 : i32
        %mul3A_775 = arith.muli %scan3A_761, %mul3A_774 : i32
        %add3A_776 = arith.constant 32 : i32
        %add3A_777 = arith.addi %mul3A_775, %add3A_776 : i32
        %swap3A_778 = arith.index_cast %scan3A_746 : i32 to index
        %swap3A_779 = arith.index_cast %add3A_777 : i32 to index
        %swap3A_780 = tpu.vector_load %arg11[%swap3A_778, %swap3A_779] {strides = array<i32>} : memref<32x1000xf32, #tpu.memory_space<vmem>>, vector<16xf32>,
        tpu.vector_store %arg11[%swap3A_778, %swap3A_779], %broadcast_in_dim3A_45 {strides = array<i32>} : memref<32x1000xf32, #tpu.memory_space<vmem>>, vector<16xf32>,
        %mul3A_781 = arith.constant 64 : i32
        %mul3A_782 = arith.muli %scan3A_761, %mul3A_781 : i32
        %add3A_783 = arith.constant 48 : i32
        %add3A_784 = arith.addi %mul3A_782, %add3A_783 : i32
        %swap3A_785 = arith.index_cast %scan3A_746 : i32 to index
        %swap3A_786 = arith.index_cast %add3A_784 : i32 to index
        %swap3A_787 = tpu.vector_load %arg11[%swap3A_785, %swap3A_786] {strides = array<i32>} : memref<32x1000xf32, #tpu.memory_space<vmem>>, vector<16xf32>,
        tpu.vector_store %arg11[%swap3A_785, %swap3A_786], %broadcast_in_dim3A_45 {strides = array<i32>} : memref<32x1000xf32, #tpu.memory_space<vmem>>, vector<16xf32>,
      }
      %scan3A_752 = arith.constant 15 : i32
      %swap3A = arith.index_cast %scan3A_746 : i32 to index
      %swap3A_753 = arith.constant 960 : index
      %swap3A_754 = tpu.vector_load %arg11[%swap3A, %swap3A_753] {strides = array<i32>} : memref<32x1000xf32, #tpu.memory_space<vmem>>, vector<16xf32>,
      tpu.vector_store %arg11[%swap3A, %swap3A_753], %broadcast_in_dim3A_45 {strides = array<i32>} : memref<32x1000xf32, #tpu.memory_space<vmem>>, vector<16xf32>,
      %swap3A_755 = arith.index_cast %scan3A_746 : i32 to index
      %swap3A_756 = arith.constant 976 : index
      %swap3A_757 = tpu.vector_load %arg11[%swap3A_755, %swap3A_756] {strides = array<i32>} : memref<32x1000xf32, #tpu.memory_space<vmem>>, vector<16xf32>,
      tpu.vector_store %arg11[%swap3A_755, %swap3A_756], %broadcast_in_dim3A_45 {strides = array<i32>} : memref<32x1000xf32, #tpu.memory_space<vmem>>, vector<16xf32>,
      %swap3A_758 = arith.index_cast %scan3A_746 : i32 to index
      %swap3A_759 = arith.constant 984 : index
      %swap3A_760 = tpu.vector_load %arg11[%swap3A_758, %swap3A_759] {strides = array<i32>} : memref<32x1000xf32, #tpu.memory_space<vmem>>, vector<16xf32>,
      tpu.vector_store %arg11[%swap3A_758, %swap3A_759], %broadcast_in_dim3A_45 {strides = array<i32>} : memref<32x1000xf32, #tpu.memory_space<vmem>>, vector<16xf32>,
    }
    %scan3A_51 = arith.constant 32 : i32
    %broadcast_in_dim3A_52 = arith.constant 0.000000e+00 : f32
    %broadcast_in_dim3A_53 = vector.broadcast %broadcast_in_dim3A_52 : f32 to vector<16xf32>
    %scan3A_54 = arith.constant 0 : i32
    %scan3A_55 = arith.constant 0 : i32
    %scan3A_56 = arith.constant 32 : i32
    %scan3A_57 = arith.addi %scan3A_55, %scan3A_56 : i32
    %scan3A_58 = arith.constant 1 : i32
    scf.for %scan3A_746 = %scan3A_55 to %scan3A_57 step %scan3A_58  : i32 {
      %scan3A_747 = arith.constant 0 : i32
      %scan3A_748 = arith.constant 0 : i32
      %scan3A_749 = arith.constant 15 : i32
      %scan3A_750 = arith.addi %scan3A_748, %scan3A_749 : i32
      %scan3A_751 = arith.constant 1 : i32
      scf.for %scan3A_761 = %scan3A_748 to %scan3A_750 step %scan3A_751  : i32 {
        %mul3A_762 = arith.constant 64 : i32
        %mul3A_763 = arith.muli %scan3A_761, %mul3A_762 : i32
        %swap3A_764 = arith.index_cast %scan3A_746 : i32 to index
        %swap3A_765 = arith.index_cast %mul3A_763 : i32 to index
        %swap3A_766 = tpu.vector_load %arg12[%swap3A_764, %swap3A_765] {strides = array<i32>} : memref<32x1000xf32, #tpu.memory_space<vmem>>, vector<16xf32>,
        tpu.vector_store %arg12[%swap3A_764, %swap3A_765], %broadcast_in_dim3A_53 {strides = array<i32>} : memref<32x1000xf32, #tpu.memory_space<vmem>>, vector<16xf32>,
        %mul3A_767 = arith.constant 64 : i32
        %mul3A_768 = arith.muli %scan3A_761, %mul3A_767 : i32
        %add3A_769 = arith.constant 16 : i32
        %add3A_770 = arith.addi %mul3A_768, %add3A_769 : i32
        %swap3A_771 = arith.index_cast %scan3A_746 : i32 to index
        %swap3A_772 = arith.index_cast %add3A_770 : i32 to index
        %swap3A_773 = tpu.vector_load %arg12[%swap3A_771, %swap3A_772] {strides = array<i32>} : memref<32x1000xf32, #tpu.memory_space<vmem>>, vector<16xf32>,
        tpu.vector_store %arg12[%swap3A_771, %swap3A_772], %broadcast_in_dim3A_53 {strides = array<i32>} : memref<32x1000xf32, #tpu.memory_space<vmem>>, vector<16xf32>,
        %mul3A_774 = arith.constant 64 : i32
        %mul3A_775 = arith.muli %scan3A_761, %mul3A_774 : i32
        %add3A_776 = arith.constant 32 : i32
        %add3A_777 = arith.addi %mul3A_775, %add3A_776 : i32
        %swap3A_778 = arith.index_cast %scan3A_746 : i32 to index
        %swap3A_779 = arith.index_cast %add3A_777 : i32 to index
        %swap3A_780 = tpu.vector_load %arg12[%swap3A_778, %swap3A_779] {strides = array<i32>} : memref<32x1000xf32, #tpu.memory_space<vmem>>, vector<16xf32>,
        tpu.vector_store %arg12[%swap3A_778, %swap3A_779], %broadcast_in_dim3A_53 {strides = array<i32>} : memref<32x1000xf32, #tpu.memory_space<vmem>>, vector<16xf32>,
        %mul3A_781 = arith.constant 64 : i32
        %mul3A_782 = arith.muli %scan3A_761, %mul3A_781 : i32
        %add3A_783 = arith.constant 48 : i32
        %add3A_784 = arith.addi %mul3A_782, %add3A_783 : i32
        %swap3A_785 = arith.index_cast %scan3A_746 : i32 to index
        %swap3A_786 = arith.index_cast %add3A_784 : i32 to index
        %swap3A_787 = tpu.vector_load %arg12[%swap3A_785, %swap3A_786] {strides = array<i32>} : memref<32x1000xf32, #tpu.memory_space<vmem>>, vector<16xf32>,
        tpu.vector_store %arg12[%swap3A_785, %swap3A_786], %broadcast_in_dim3A_53 {strides = array<i32>} : memref<32x1000xf32, #tpu.memory_space<vmem>>, vector<16xf32>,
      }
      %scan3A_752 = arith.constant 15 : i32
      %swap3A = arith.index_cast %scan3A_746 : i32 to index
      %swap3A_753 = arith.constant 960 : index
      %swap3A_754 = tpu.vector_load %arg12[%swap3A, %swap3A_753] {strides = array<i32>} : memref<32x1000xf32, #tpu.memory_space<vmem>>, vector<16xf32>,
      tpu.vector_store %arg12[%swap3A, %swap3A_753], %broadcast_in_dim3A_53 {strides = array<i32>} : memref<32x1000xf32, #tpu.memory_space<vmem>>, vector<16xf32>,
      %swap3A_755 = arith.index_cast %scan3A_746 : i32 to index
      %swap3A_756 = arith.constant 976 : index
      %swap3A_757 = tpu.vector_load %arg12[%swap3A_755, %swap3A_756] {strides = array<i32>} : memref<32x1000xf32, #tpu.memory_space<vmem>>, vector<16xf32>,
      tpu.vector_store %arg12[%swap3A_755, %swap3A_756], %broadcast_in_dim3A_53 {strides = array<i32>} : memref<32x1000xf32, #tpu.memory_space<vmem>>, vector<16xf32>,
      %swap3A_758 = arith.index_cast %scan3A_746 : i32 to index
      %swap3A_759 = arith.constant 984 : index
      %swap3A_760 = tpu.vector_load %arg12[%swap3A_758, %swap3A_759] {strides = array<i32>} : memref<32x1000xf32, #tpu.memory_space<vmem>>, vector<16xf32>,
      tpu.vector_store %arg12[%swap3A_758, %swap3A_759], %broadcast_in_dim3A_53 {strides = array<i32>} : memref<32x1000xf32, #tpu.memory_space<vmem>>, vector<16xf32>,
    }
    %scan3A_59 = arith.constant 32 : i32
    %dma_wait3A = arith.constant 0 : i32
    %dma_wait3A_60 = arith.constant 0 : i32
    %dma_wait3A_61 = tpu.memref_slice %arg13[%dma_wait3A, %dma_wait3A_60] : memref<4x128xi32, #tpu.memory_space<vmem>> -> memref<1x128xi32, #tpu.memory_space<vmem>>
    %dma_wait3A_62 = tpu.memref_squeeze %dma_wait3A_61 : memref<1x128xi32, #tpu.memory_space<vmem>> -> memref<128xi32, #tpu.memory_space<vmem>>
    %dma_wait3A_63 = tpu.memref_slice %arg2[%mul3A_2] : memref<4096xi32, #tpu.memory_space<hbm>> -> memref<128xi32, #tpu.memory_space<hbm>>
    %dma_wait3A_64 = arith.constant 0 : i32
    %dma_wait3A_65 = tpu.memref_slice %arg13[%dma_wait3A, %dma_wait3A_64] : memref<4x128xi32, #tpu.memory_space<vmem>> -> memref<1x128xi32, #tpu.memory_space<vmem>>
    %dma_wait3A_66 = tpu.memref_squeeze %dma_wait3A_65 : memref<1x128xi32, #tpu.memory_space<vmem>> -> memref<128xi32, #tpu.memory_space<vmem>>
    %dma_wait3A_67 = tpu.memref_slice %arg2[%mul3A_2] : memref<4096xi32, #tpu.memory_space<hbm>> -> memref<128xi32, #tpu.memory_space<hbm>>
    tpu.wait_dma2 semaphore(%arg14 : memref<!tpu.dma_semaphore, #tpu.memory_space<semaphore_mem>>) src(%dma_wait3A_67 : memref<128xi32, #tpu.memory_space<hbm>>) dst(%dma_wait3A_66 : memref<128xi32, #tpu.memory_space<vmem>>)
    %dma_wait3A_68 = arith.constant 1 : i32
    %dma_wait3A_69 = arith.constant 0 : i32
    %dma_wait3A_70 = tpu.memref_slice %arg13[%dma_wait3A_68, %dma_wait3A_69] : memref<4x128xi32, #tpu.memory_space<vmem>> -> memref<1x128xi32, #tpu.memory_space<vmem>>
    %dma_wait3A_71 = tpu.memref_squeeze %dma_wait3A_70 : memref<1x128xi32, #tpu.memory_space<vmem>> -> memref<128xi32, #tpu.memory_space<vmem>>
    %dma_wait3A_72 = tpu.memref_slice %arg3[%mul3A_2] : memref<4096xi32, #tpu.memory_space<hbm>> -> memref<128xi32, #tpu.memory_space<hbm>>
    %dma_wait3A_73 = arith.constant 0 : i32
    %dma_wait3A_74 = tpu.memref_slice %arg13[%dma_wait3A_68, %dma_wait3A_73] : memref<4x128xi32, #tpu.memory_space<vmem>> -> memref<1x128xi32, #tpu.memory_space<vmem>>
    %dma_wait3A_75 = tpu.memref_squeeze %dma_wait3A_74 : memref<1x128xi32, #tpu.memory_space<vmem>> -> memref<128xi32, #tpu.memory_space<vmem>>
    %dma_wait3A_76 = tpu.memref_slice %arg3[%mul3A_2] : memref<4096xi32, #tpu.memory_space<hbm>> -> memref<128xi32, #tpu.memory_space<hbm>>
    tpu.wait_dma2 semaphore(%arg14 : memref<!tpu.dma_semaphore, #tpu.memory_space<semaphore_mem>>) src(%dma_wait3A_76 : memref<128xi32, #tpu.memory_space<hbm>>) dst(%dma_wait3A_75 : memref<128xi32, #tpu.memory_space<vmem>>)
    %dma_wait3A_77 = arith.constant 2 : i32
    %dma_wait3A_78 = arith.constant 0 : i32
    %dma_wait3A_79 = tpu.memref_slice %arg13[%dma_wait3A_77, %dma_wait3A_78] : memref<4x128xi32, #tpu.memory_space<vmem>> -> memref<1x128xi32, #tpu.memory_space<vmem>>
    %dma_wait3A_80 = tpu.memref_squeeze %dma_wait3A_79 : memref<1x128xi32, #tpu.memory_space<vmem>> -> memref<128xi32, #tpu.memory_space<vmem>>
    %dma_wait3A_81 = tpu.memref_slice %arg4[%mul3A_2] : memref<4096xi32, #tpu.memory_space<hbm>> -> memref<128xi32, #tpu.memory_space<hbm>>
    %dma_wait3A_82 = arith.constant 0 : i32
    %dma_wait3A_83 = tpu.memref_slice %arg13[%dma_wait3A_77, %dma_wait3A_82] : memref<4x128xi32, #tpu.memory_space<vmem>> -> memref<1x128xi32, #tpu.memory_space<vmem>>
    %dma_wait3A_84 = tpu.memref_squeeze %dma_wait3A_83 : memref<1x128xi32, #tpu.memory_space<vmem>> -> memref<128xi32, #tpu.memory_space<vmem>>
    %dma_wait3A_85 = tpu.memref_slice %arg4[%mul3A_2] : memref<4096xi32, #tpu.memory_space<hbm>> -> memref<128xi32, #tpu.memory_space<hbm>>
    tpu.wait_dma2 semaphore(%arg14 : memref<!tpu.dma_semaphore, #tpu.memory_space<semaphore_mem>>) src(%dma_wait3A_85 : memref<128xi32, #tpu.memory_space<hbm>>) dst(%dma_wait3A_84 : memref<128xi32, #tpu.memory_space<vmem>>)
    %dma_wait3A_86 = arith.constant 3 : i32
    %dma_wait3A_87 = arith.constant 0 : i32
    %dma_wait3A_88 = tpu.memref_slice %arg13[%dma_wait3A_86, %dma_wait3A_87] : memref<4x128xi32, #tpu.memory_space<vmem>> -> memref<1x128xi32, #tpu.memory_space<vmem>>
    %dma_wait3A_89 = tpu.memref_squeeze %dma_wait3A_88 : memref<1x128xi32, #tpu.memory_space<vmem>> -> memref<128xi32, #tpu.memory_space<vmem>>
    %dma_wait3A_90 = tpu.memref_slice %arg5[%mul3A_2] : memref<4096xi32, #tpu.memory_space<hbm>> -> memref<128xi32, #tpu.memory_space<hbm>>
    %dma_wait3A_91 = arith.constant 0 : i32
    %dma_wait3A_92 = tpu.memref_slice %arg13[%dma_wait3A_86, %dma_wait3A_91] : memref<4x128xi32, #tpu.memory_space<vmem>> -> memref<1x128xi32, #tpu.memory_space<vmem>>
    %dma_wait3A_93 = tpu.memref_squeeze %dma_wait3A_92 : memref<1x128xi32, #tpu.memory_space<vmem>> -> memref<128xi32, #tpu.memory_space<vmem>>
    %dma_wait3A_94 = tpu.memref_slice %arg5[%mul3A_2] : memref<4096xi32, #tpu.memory_space<hbm>> -> memref<128xi32, #tpu.memory_space<hbm>>
    tpu.wait_dma2 semaphore(%arg14 : memref<!tpu.dma_semaphore, #tpu.memory_space<semaphore_mem>>) src(%dma_wait3A_94 : memref<128xi32, #tpu.memory_space<hbm>>) dst(%dma_wait3A_93 : memref<128xi32, #tpu.memory_space<vmem>>)
    %iota3A = tpu.iota {dimensions = array<i32: 0>} : vector<16xi32>
    %broadcast_in_dim3A_95 = arith.constant 1.000000e+00 : f32
    %broadcast_in_dim3A_96 = vector.broadcast %broadcast_in_dim3A_95 : f32 to vector<16xf32>
    %add3A_97 = arith.constant 0 : i32
    %add3A_98 = vector.broadcast %add3A_97 : i32 to vector<16xi32>
    %add3A_99 = arith.addi %iota3A, %add3A_98 : vector<16xi32>
    %get3A = arith.constant 0 : i32
    %get3A_100 = arith.index_cast %get3A : i32 to index
    %get3A_101 = arith.constant 0 : index
    %get3A_102 = tpu.vector_load %arg13[%get3A_100, %get3A_101] {strides = array<i32>} : memref<4x128xi32, #tpu.memory_space<vmem>>, vector<16xi32>,
    tpu.vector_store_idx %arg10[%add3A_99, %get3A_102], %broadcast_in_dim3A_96 : memref<32x1000xf32, #tpu.memory_space<vmem>>[vector<16xi32>, vector<16xi32>], vector<16xf32>,
    %add3A_103 = arith.constant 16 : i32
    %add3A_104 = vector.broadcast %add3A_103 : i32 to vector<16xi32>
    %add3A_105 = arith.addi %iota3A, %add3A_104 : vector<16xi32>
    %get3A_106 = arith.constant 0 : i32
    %get3A_107 = arith.index_cast %get3A_106 : i32 to index
    %get3A_108 = arith.constant 16 : index
    %get3A_109 = tpu.vector_load %arg13[%get3A_107, %get3A_108] {strides = array<i32>} : memref<4x128xi32, #tpu.memory_space<vmem>>, vector<16xi32>,
    tpu.vector_store_idx %arg10[%add3A_105, %get3A_109], %broadcast_in_dim3A_96 : memref<32x1000xf32, #tpu.memory_space<vmem>>[vector<16xi32>, vector<16xi32>], vector<16xf32>,
    %add3A_110 = arith.constant 0 : i32
    %add3A_111 = arith.addi %mul3A_2, %add3A_110 : i32
    %dma_start3A_112 = arith.constant 0 : i32
    %dma_start3A_113 = tpu.memref_slice %arg6[%add3A_111, %dma_start3A_112] : memref<4096x1000xf32, #tpu.memory_space<hbm>> -> memref<32x1000xf32, #tpu.memory_space<hbm>>
    %dma_start3A_114 = arith.constant 0 : i32
    %dma_start3A_115 = tpu.memref_slice %arg6[%add3A_111, %dma_start3A_114] : memref<4096x1000xf32, #tpu.memory_space<hbm>> -> memref<32x1000xf32, #tpu.memory_space<hbm>>
    tpu.enqueue_dma source(%arg10 : memref<32x1000xf32, #tpu.memory_space<vmem>>) target(%dma_start3A_115 : memref<32x1000xf32, #tpu.memory_space<hbm>>) target_semaphore(%arg15 : memref<!tpu.dma_semaphore, #tpu.memory_space<semaphore_mem>>)
    %iota3A_116 = tpu.iota {dimensions = array<i32: 0>} : vector<16xi32>
    %broadcast_in_dim3A_117 = arith.constant 1.000000e+00 : f32
    %broadcast_in_dim3A_118 = vector.broadcast %broadcast_in_dim3A_117 : f32 to vector<16xf32>
    %add3A_119 = arith.constant 0 : i32
    %add3A_120 = vector.broadcast %add3A_119 : i32 to vector<16xi32>
    %add3A_121 = arith.addi %iota3A_116, %add3A_120 : vector<16xi32>
    %get3A_122 = arith.constant 0 : i32
    %get3A_123 = arith.index_cast %get3A_122 : i32 to index
    %get3A_124 = arith.constant 32 : index
    %get3A_125 = tpu.vector_load %arg13[%get3A_123, %get3A_124] {strides = array<i32>} : memref<4x128xi32, #tpu.memory_space<vmem>>, vector<16xi32>,
    tpu.vector_store_idx %arg11[%add3A_121, %get3A_125], %broadcast_in_dim3A_118 : memref<32x1000xf32, #tpu.memory_space<vmem>>[vector<16xi32>, vector<16xi32>], vector<16xf32>,
    %add3A_126 = arith.constant 16 : i32
    %add3A_127 = vector.broadcast %add3A_126 : i32 to vector<16xi32>
    %add3A_128 = arith.addi %iota3A_116, %add3A_127 : vector<16xi32>
    %get3A_129 = arith.constant 0 : i32
    %get3A_130 = arith.index_cast %get3A_129 : i32 to index
    %get3A_131 = arith.constant 48 : index
    %get3A_132 = tpu.vector_load %arg13[%get3A_130, %get3A_131] {strides = array<i32>} : memref<4x128xi32, #tpu.memory_space<vmem>>, vector<16xi32>,
    tpu.vector_store_idx %arg11[%add3A_128, %get3A_132], %broadcast_in_dim3A_118 : memref<32x1000xf32, #tpu.memory_space<vmem>>[vector<16xi32>, vector<16xi32>], vector<16xf32>,
    %add3A_133 = arith.constant 32 : i32
    %add3A_134 = arith.addi %mul3A_2, %add3A_133 : i32
    %dma_start3A_135 = arith.constant 0 : i32
    %dma_start3A_136 = tpu.memref_slice %arg6[%add3A_134, %dma_start3A_135] : memref<4096x1000xf32, #tpu.memory_space<hbm>> -> memref<32x1000xf32, #tpu.memory_space<hbm>>
    %dma_start3A_137 = arith.constant 0 : i32
    %dma_start3A_138 = tpu.memref_slice %arg6[%add3A_134, %dma_start3A_137] : memref<4096x1000xf32, #tpu.memory_space<hbm>> -> memref<32x1000xf32, #tpu.memory_space<hbm>>
    tpu.enqueue_dma source(%arg11 : memref<32x1000xf32, #tpu.memory_space<vmem>>) target(%dma_start3A_138 : memref<32x1000xf32, #tpu.memory_space<hbm>>) target_semaphore(%arg16 : memref<!tpu.dma_semaphore, #tpu.memory_space<semaphore_mem>>)
    %iota3A_139 = tpu.iota {dimensions = array<i32: 0>} : vector<16xi32>
    %broadcast_in_dim3A_140 = arith.constant 1.000000e+00 : f32
    %broadcast_in_dim3A_141 = vector.broadcast %broadcast_in_dim3A_140 : f32 to vector<16xf32>
    %add3A_142 = arith.constant 0 : i32
    %add3A_143 = vector.broadcast %add3A_142 : i32 to vector<16xi32>
    %add3A_144 = arith.addi %iota3A_139, %add3A_143 : vector<16xi32>
    %get3A_145 = arith.constant 0 : i32
    %get3A_146 = arith.index_cast %get3A_145 : i32 to index
    %get3A_147 = arith.constant 64 : index
    %get3A_148 = tpu.vector_load %arg13[%get3A_146, %get3A_147] {strides = array<i32>} : memref<4x128xi32, #tpu.memory_space<vmem>>, vector<16xi32>,
    tpu.vector_store_idx %arg12[%add3A_144, %get3A_148], %broadcast_in_dim3A_141 : memref<32x1000xf32, #tpu.memory_space<vmem>>[vector<16xi32>, vector<16xi32>], vector<16xf32>,
    %add3A_149 = arith.constant 16 : i32
    %add3A_150 = vector.broadcast %add3A_149 : i32 to vector<16xi32>
    %add3A_151 = arith.addi %iota3A_139, %add3A_150 : vector<16xi32>
    %get3A_152 = arith.constant 0 : i32
    %get3A_153 = arith.index_cast %get3A_152 : i32 to index
    %get3A_154 = arith.constant 80 : index
    %get3A_155 = tpu.vector_load %arg13[%get3A_153, %get3A_154] {strides = array<i32>} : memref<4x128xi32, #tpu.memory_space<vmem>>, vector<16xi32>,
    tpu.vector_store_idx %arg12[%add3A_151, %get3A_155], %broadcast_in_dim3A_141 : memref<32x1000xf32, #tpu.memory_space<vmem>>[vector<16xi32>, vector<16xi32>], vector<16xf32>,
    %add3A_156 = arith.constant 64 : i32
    %add3A_157 = arith.addi %mul3A_2, %add3A_156 : i32
    %dma_start3A_158 = arith.constant 0 : i32
    %dma_start3A_159 = tpu.memref_slice %arg6[%add3A_157, %dma_start3A_158] : memref<4096x1000xf32, #tpu.memory_space<hbm>> -> memref<32x1000xf32, #tpu.memory_space<hbm>>
    %dma_start3A_160 = arith.constant 0 : i32
    %dma_start3A_161 = tpu.memref_slice %arg6[%add3A_157, %dma_start3A_160] : memref<4096x1000xf32, #tpu.memory_space<hbm>> -> memref<32x1000xf32, #tpu.memory_space<hbm>>
    tpu.enqueue_dma source(%arg12 : memref<32x1000xf32, #tpu.memory_space<vmem>>) target(%dma_start3A_161 : memref<32x1000xf32, #tpu.memory_space<hbm>>) target_semaphore(%arg17 : memref<!tpu.dma_semaphore, #tpu.memory_space<semaphore_mem>>)
    %dma_wait3A_162 = arith.constant 0 : i32
    %dma_wait3A_163 = tpu.memref_slice %arg6[%add3A_111, %dma_wait3A_162] : memref<4096x1000xf32, #tpu.memory_space<hbm>> -> memref<32x1000xf32, #tpu.memory_space<hbm>>
    %dma_wait3A_164 = arith.constant 0 : i32
    %dma_wait3A_165 = tpu.memref_slice %arg6[%add3A_111, %dma_wait3A_164] : memref<4096x1000xf32, #tpu.memory_space<hbm>> -> memref<32x1000xf32, #tpu.memory_space<hbm>>
    tpu.wait_dma2 semaphore(%arg15 : memref<!tpu.dma_semaphore, #tpu.memory_space<semaphore_mem>>) src(%arg10 : memref<32x1000xf32, #tpu.memory_space<vmem>>) dst(%dma_wait3A_165 : memref<32x1000xf32, #tpu.memory_space<hbm>>)
    %iota3A_166 = tpu.iota {dimensions = array<i32: 0>} : vector<16xi32>
    %broadcast_in_dim3A_167 = arith.constant 0.000000e+00 : f32
    %broadcast_in_dim3A_168 = vector.broadcast %broadcast_in_dim3A_167 : f32 to vector<16xf32>
    %add3A_169 = arith.constant 0 : i32
    %add3A_170 = vector.broadcast %add3A_169 : i32 to vector<16xi32>
    %add3A_171 = arith.addi %iota3A_166, %add3A_170 : vector<16xi32>
    %get3A_172 = arith.constant 0 : i32
    %get3A_173 = arith.index_cast %get3A_172 : i32 to index
    %get3A_174 = arith.constant 0 : index
    %get3A_175 = tpu.vector_load %arg13[%get3A_173, %get3A_174] {strides = array<i32>} : memref<4x128xi32, #tpu.memory_space<vmem>>, vector<16xi32>,
    tpu.vector_store_idx %arg10[%add3A_171, %get3A_175], %broadcast_in_dim3A_168 : memref<32x1000xf32, #tpu.memory_space<vmem>>[vector<16xi32>, vector<16xi32>], vector<16xf32>,
    %add3A_176 = arith.constant 16 : i32
    %add3A_177 = vector.broadcast %add3A_176 : i32 to vector<16xi32>
    %add3A_178 = arith.addi %iota3A_166, %add3A_177 : vector<16xi32>
    %get3A_179 = arith.constant 0 : i32
    %get3A_180 = arith.index_cast %get3A_179 : i32 to index
    %get3A_181 = arith.constant 16 : index
    %get3A_182 = tpu.vector_load %arg13[%get3A_180, %get3A_181] {strides = array<i32>} : memref<4x128xi32, #tpu.memory_space<vmem>>, vector<16xi32>,
    tpu.vector_store_idx %arg10[%add3A_178, %get3A_182], %broadcast_in_dim3A_168 : memref<32x1000xf32, #tpu.memory_space<vmem>>[vector<16xi32>, vector<16xi32>], vector<16xf32>,
    %iota3A_183 = tpu.iota {dimensions = array<i32: 0>} : vector<16xi32>
    %broadcast_in_dim3A_184 = arith.constant 1.000000e+00 : f32
    %broadcast_in_dim3A_185 = vector.broadcast %broadcast_in_dim3A_184 : f32 to vector<16xf32>
    %add3A_186 = arith.constant 0 : i32
    %add3A_187 = vector.broadcast %add3A_186 : i32 to vector<16xi32>
    %add3A_188 = arith.addi %iota3A_183, %add3A_187 : vector<16xi32>
    %get3A_189 = arith.constant 0 : i32
    %get3A_190 = arith.index_cast %get3A_189 : i32 to index
    %get3A_191 = arith.constant 96 : index
    %get3A_192 = tpu.vector_load %arg13[%get3A_190, %get3A_191] {strides = array<i32>} : memref<4x128xi32, #tpu.memory_space<vmem>>, vector<16xi32>,
    tpu.vector_store_idx %arg10[%add3A_188, %get3A_192], %broadcast_in_dim3A_185 : memref<32x1000xf32, #tpu.memory_space<vmem>>[vector<16xi32>, vector<16xi32>], vector<16xf32>,
    %add3A_193 = arith.constant 16 : i32
    %add3A_194 = vector.broadcast %add3A_193 : i32 to vector<16xi32>
    %add3A_195 = arith.addi %iota3A_183, %add3A_194 : vector<16xi32>
    %get3A_196 = arith.constant 0 : i32
    %get3A_197 = arith.index_cast %get3A_196 : i32 to index
    %get3A_198 = arith.constant 112 : index
    %get3A_199 = tpu.vector_load %arg13[%get3A_197, %get3A_198] {strides = array<i32>} : memref<4x128xi32, #tpu.memory_space<vmem>>, vector<16xi32>,
    tpu.vector_store_idx %arg10[%add3A_195, %get3A_199], %broadcast_in_dim3A_185 : memref<32x1000xf32, #tpu.memory_space<vmem>>[vector<16xi32>, vector<16xi32>], vector<16xf32>,
    %add3A_200 = arith.constant 96 : i32
    %add3A_201 = arith.addi %mul3A_2, %add3A_200 : i32
    %dma_start3A_202 = arith.constant 0 : i32
    %dma_start3A_203 = tpu.memref_slice %arg6[%add3A_201, %dma_start3A_202] : memref<4096x1000xf32, #tpu.memory_space<hbm>> -> memref<32x1000xf32, #tpu.memory_space<hbm>>
    %dma_start3A_204 = arith.constant 0 : i32
    %dma_start3A_205 = tpu.memref_slice %arg6[%add3A_201, %dma_start3A_204] : memref<4096x1000xf32, #tpu.memory_space<hbm>> -> memref<32x1000xf32, #tpu.memory_space<hbm>>
    tpu.enqueue_dma source(%arg10 : memref<32x1000xf32, #tpu.memory_space<vmem>>) target(%dma_start3A_205 : memref<32x1000xf32, #tpu.memory_space<hbm>>) target_semaphore(%arg15 : memref<!tpu.dma_semaphore, #tpu.memory_space<semaphore_mem>>)
    %dma_wait3A_206 = arith.constant 0 : i32
    %dma_wait3A_207 = tpu.memref_slice %arg6[%add3A_134, %dma_wait3A_206] : memref<4096x1000xf32, #tpu.memory_space<hbm>> -> memref<32x1000xf32, #tpu.memory_space<hbm>>
    %dma_wait3A_208 = arith.constant 0 : i32
    %dma_wait3A_209 = tpu.memref_slice %arg6[%add3A_134, %dma_wait3A_208] : memref<4096x1000xf32, #tpu.memory_space<hbm>> -> memref<32x1000xf32, #tpu.memory_space<hbm>>
    tpu.wait_dma2 semaphore(%arg16 : memref<!tpu.dma_semaphore, #tpu.memory_space<semaphore_mem>>) src(%arg11 : memref<32x1000xf32, #tpu.memory_space<vmem>>) dst(%dma_wait3A_209 : memref<32x1000xf32, #tpu.memory_space<hbm>>)
    %iota3A_210 = tpu.iota {dimensions = array<i32: 0>} : vector<16xi32>
    %broadcast_in_dim3A_211 = arith.constant 0.000000e+00 : f32
    %broadcast_in_dim3A_212 = vector.broadcast %broadcast_in_dim3A_211 : f32 to vector<16xf32>
    %add3A_213 = arith.constant 0 : i32
    %add3A_214 = vector.broadcast %add3A_213 : i32 to vector<16xi32>
    %add3A_215 = arith.addi %iota3A_210, %add3A_214 : vector<16xi32>
    %get3A_216 = arith.constant 0 : i32
    %get3A_217 = arith.index_cast %get3A_216 : i32 to index
    %get3A_218 = arith.constant 32 : index
    %get3A_219 = tpu.vector_load %arg13[%get3A_217, %get3A_218] {strides = array<i32>} : memref<4x128xi32, #tpu.memory_space<vmem>>, vector<16xi32>,
    tpu.vector_store_idx %arg11[%add3A_215, %get3A_219], %broadcast_in_dim3A_212 : memref<32x1000xf32, #tpu.memory_space<vmem>>[vector<16xi32>, vector<16xi32>], vector<16xf32>,
    %add3A_220 = arith.constant 16 : i32
    %add3A_221 = vector.broadcast %add3A_220 : i32 to vector<16xi32>
    %add3A_222 = arith.addi %iota3A_210, %add3A_221 : vector<16xi32>
    %get3A_223 = arith.constant 0 : i32
    %get3A_224 = arith.index_cast %get3A_223 : i32 to index
    %get3A_225 = arith.constant 48 : index
    %get3A_226 = tpu.vector_load %arg13[%get3A_224, %get3A_225] {strides = array<i32>} : memref<4x128xi32, #tpu.memory_space<vmem>>, vector<16xi32>,
    tpu.vector_store_idx %arg11[%add3A_222, %get3A_226], %broadcast_in_dim3A_212 : memref<32x1000xf32, #tpu.memory_space<vmem>>[vector<16xi32>, vector<16xi32>], vector<16xf32>,
    %iota3A_227 = tpu.iota {dimensions = array<i32: 0>} : vector<16xi32>
    %broadcast_in_dim3A_228 = arith.constant 1.000000e+00 : f32
    %broadcast_in_dim3A_229 = vector.broadcast %broadcast_in_dim3A_228 : f32 to vector<16xf32>
    %add3A_230 = arith.constant 0 : i32
    %add3A_231 = vector.broadcast %add3A_230 : i32 to vector<16xi32>
    %add3A_232 = arith.addi %iota3A_227, %add3A_231 : vector<16xi32>
    %get3A_233 = arith.constant 1 : i32
    %get3A_234 = arith.index_cast %get3A_233 : i32 to index
    %get3A_235 = arith.constant 0 : index
    %get3A_236 = tpu.vector_load %arg13[%get3A_234, %get3A_235] {strides = array<i32>} : memref<4x128xi32, #tpu.memory_space<vmem>>, vector<16xi32>,
    tpu.vector_store_idx %arg11[%add3A_232, %get3A_236], %broadcast_in_dim3A_229 : memref<32x1000xf32, #tpu.memory_space<vmem>>[vector<16xi32>, vector<16xi32>], vector<16xf32>,
    %add3A_237 = arith.constant 16 : i32
    %add3A_238 = vector.broadcast %add3A_237 : i32 to vector<16xi32>
    %add3A_239 = arith.addi %iota3A_227, %add3A_238 : vector<16xi32>
    %get3A_240 = arith.constant 1 : i32
    %get3A_241 = arith.index_cast %get3A_240 : i32 to index
    %get3A_242 = arith.constant 16 : index
    %get3A_243 = tpu.vector_load %arg13[%get3A_241, %get3A_242] {strides = array<i32>} : memref<4x128xi32, #tpu.memory_space<vmem>>, vector<16xi32>,
    tpu.vector_store_idx %arg11[%add3A_239, %get3A_243], %broadcast_in_dim3A_229 : memref<32x1000xf32, #tpu.memory_space<vmem>>[vector<16xi32>, vector<16xi32>], vector<16xf32>,
    %add3A_244 = arith.constant 0 : i32
    %add3A_245 = arith.addi %mul3A_2, %add3A_244 : i32
    %dma_start3A_246 = arith.constant 0 : i32
    %dma_start3A_247 = tpu.memref_slice %arg7[%add3A_245, %dma_start3A_246] : memref<4096x1000xf32, #tpu.memory_space<hbm>> -> memref<32x1000xf32, #tpu.memory_space<hbm>>
    %dma_start3A_248 = arith.constant 0 : i32
    %dma_start3A_249 = tpu.memref_slice %arg7[%add3A_245, %dma_start3A_248] : memref<4096x1000xf32, #tpu.memory_space<hbm>> -> memref<32x1000xf32, #tpu.memory_space<hbm>>
    tpu.enqueue_dma source(%arg11 : memref<32x1000xf32, #tpu.memory_space<vmem>>) target(%dma_start3A_249 : memref<32x1000xf32, #tpu.memory_space<hbm>>) target_semaphore(%arg16 : memref<!tpu.dma_semaphore, #tpu.memory_space<semaphore_mem>>)
    %dma_wait3A_250 = arith.constant 0 : i32
    %dma_wait3A_251 = tpu.memref_slice %arg6[%add3A_157, %dma_wait3A_250] : memref<4096x1000xf32, #tpu.memory_space<hbm>> -> memref<32x1000xf32, #tpu.memory_space<hbm>>
    %dma_wait3A_252 = arith.constant 0 : i32
    %dma_wait3A_253 = tpu.memref_slice %arg6[%add3A_157, %dma_wait3A_252] : memref<4096x1000xf32, #tpu.memory_space<hbm>> -> memref<32x1000xf32, #tpu.memory_space<hbm>>
    tpu.wait_dma2 semaphore(%arg17 : memref<!tpu.dma_semaphore, #tpu.memory_space<semaphore_mem>>) src(%arg12 : memref<32x1000xf32, #tpu.memory_space<vmem>>) dst(%dma_wait3A_253 : memref<32x1000xf32, #tpu.memory_space<hbm>>)
    %iota3A_254 = tpu.iota {dimensions = array<i32: 0>} : vector<16xi32>
    %broadcast_in_dim3A_255 = arith.constant 0.000000e+00 : f32
    %broadcast_in_dim3A_256 = vector.broadcast %broadcast_in_dim3A_255 : f32 to vector<16xf32>
    %add3A_257 = arith.constant 0 : i32
    %add3A_258 = vector.broadcast %add3A_257 : i32 to vector<16xi32>
    %add3A_259 = arith.addi %iota3A_254, %add3A_258 : vector<16xi32>
    %get3A_260 = arith.constant 0 : i32
    %get3A_261 = arith.index_cast %get3A_260 : i32 to index
    %get3A_262 = arith.constant 64 : index
    %get3A_263 = tpu.vector_load %arg13[%get3A_261, %get3A_262] {strides = array<i32>} : memref<4x128xi32, #tpu.memory_space<vmem>>, vector<16xi32>,
    tpu.vector_store_idx %arg12[%add3A_259, %get3A_263], %broadcast_in_dim3A_256 : memref<32x1000xf32, #tpu.memory_space<vmem>>[vector<16xi32>, vector<16xi32>], vector<16xf32>,
    %add3A_264 = arith.constant 16 : i32
    %add3A_265 = vector.broadcast %add3A_264 : i32 to vector<16xi32>
    %add3A_266 = arith.addi %iota3A_254, %add3A_265 : vector<16xi32>
    %get3A_267 = arith.constant 0 : i32
    %get3A_268 = arith.index_cast %get3A_267 : i32 to index
    %get3A_269 = arith.constant 80 : index
    %get3A_270 = tpu.vector_load %arg13[%get3A_268, %get3A_269] {strides = array<i32>} : memref<4x128xi32, #tpu.memory_space<vmem>>, vector<16xi32>,
    tpu.vector_store_idx %arg12[%add3A_266, %get3A_270], %broadcast_in_dim3A_256 : memref<32x1000xf32, #tpu.memory_space<vmem>>[vector<16xi32>, vector<16xi32>], vector<16xf32>,
    %iota3A_271 = tpu.iota {dimensions = array<i32: 0>} : vector<16xi32>
    %broadcast_in_dim3A_272 = arith.constant 1.000000e+00 : f32
    %broadcast_in_dim3A_273 = vector.broadcast %broadcast_in_dim3A_272 : f32 to vector<16xf32>
    %add3A_274 = arith.constant 0 : i32
    %add3A_275 = vector.broadcast %add3A_274 : i32 to vector<16xi32>
    %add3A_276 = arith.addi %iota3A_271, %add3A_275 : vector<16xi32>
    %get3A_277 = arith.constant 1 : i32
    %get3A_278 = arith.index_cast %get3A_277 : i32 to index
    %get3A_279 = arith.constant 32 : index
    %get3A_280 = tpu.vector_load %arg13[%get3A_278, %get3A_279] {strides = array<i32>} : memref<4x128xi32, #tpu.memory_space<vmem>>, vector<16xi32>,
    tpu.vector_store_idx %arg12[%add3A_276, %get3A_280], %broadcast_in_dim3A_273 : memref<32x1000xf32, #tpu.memory_space<vmem>>[vector<16xi32>, vector<16xi32>], vector<16xf32>,
    %add3A_281 = arith.constant 16 : i32
    %add3A_282 = vector.broadcast %add3A_281 : i32 to vector<16xi32>
    %add3A_283 = arith.addi %iota3A_271, %add3A_282 : vector<16xi32>
    %get3A_284 = arith.constant 1 : i32
    %get3A_285 = arith.index_cast %get3A_284 : i32 to index
    %get3A_286 = arith.constant 48 : index
    %get3A_287 = tpu.vector_load %arg13[%get3A_285, %get3A_286] {strides = array<i32>} : memref<4x128xi32, #tpu.memory_space<vmem>>, vector<16xi32>,
    tpu.vector_store_idx %arg12[%add3A_283, %get3A_287], %broadcast_in_dim3A_273 : memref<32x1000xf32, #tpu.memory_space<vmem>>[vector<16xi32>, vector<16xi32>], vector<16xf32>,
    %add3A_288 = arith.constant 32 : i32
    %add3A_289 = arith.addi %mul3A_2, %add3A_288 : i32
    %dma_start3A_290 = arith.constant 0 : i32
    %dma_start3A_291 = tpu.memref_slice %arg7[%add3A_289, %dma_start3A_290] : memref<4096x1000xf32, #tpu.memory_space<hbm>> -> memref<32x1000xf32, #tpu.memory_space<hbm>>
    %dma_start3A_292 = arith.constant 0 : i32
    %dma_start3A_293 = tpu.memref_slice %arg7[%add3A_289, %dma_start3A_292] : memref<4096x1000xf32, #tpu.memory_space<hbm>> -> memref<32x1000xf32, #tpu.memory_space<hbm>>
    tpu.enqueue_dma source(%arg12 : memref<32x1000xf32, #tpu.memory_space<vmem>>) target(%dma_start3A_293 : memref<32x1000xf32, #tpu.memory_space<hbm>>) target_semaphore(%arg17 : memref<!tpu.dma_semaphore, #tpu.memory_space<semaphore_mem>>)
    %dma_wait3A_294 = arith.constant 0 : i32
    %dma_wait3A_295 = tpu.memref_slice %arg6[%add3A_201, %dma_wait3A_294] : memref<4096x1000xf32, #tpu.memory_space<hbm>> -> memref<32x1000xf32, #tpu.memory_space<hbm>>
    %dma_wait3A_296 = arith.constant 0 : i32
    %dma_wait3A_297 = tpu.memref_slice %arg6[%add3A_201, %dma_wait3A_296] : memref<4096x1000xf32, #tpu.memory_space<hbm>> -> memref<32x1000xf32, #tpu.memory_space<hbm>>
    tpu.wait_dma2 semaphore(%arg15 : memref<!tpu.dma_semaphore, #tpu.memory_space<semaphore_mem>>) src(%arg10 : memref<32x1000xf32, #tpu.memory_space<vmem>>) dst(%dma_wait3A_297 : memref<32x1000xf32, #tpu.memory_space<hbm>>)
    %iota3A_298 = tpu.iota {dimensions = array<i32: 0>} : vector<16xi32>
    %broadcast_in_dim3A_299 = arith.constant 0.000000e+00 : f32
    %broadcast_in_dim3A_300 = vector.broadcast %broadcast_in_dim3A_299 : f32 to vector<16xf32>
    %add3A_301 = arith.constant 0 : i32
    %add3A_302 = vector.broadcast %add3A_301 : i32 to vector<16xi32>
    %add3A_303 = arith.addi %iota3A_298, %add3A_302 : vector<16xi32>
    %get3A_304 = arith.constant 0 : i32
    %get3A_305 = arith.index_cast %get3A_304 : i32 to index
    %get3A_306 = arith.constant 96 : index
    %get3A_307 = tpu.vector_load %arg13[%get3A_305, %get3A_306] {strides = array<i32>} : memref<4x128xi32, #tpu.memory_space<vmem>>, vector<16xi32>,
    tpu.vector_store_idx %arg10[%add3A_303, %get3A_307], %broadcast_in_dim3A_300 : memref<32x1000xf32, #tpu.memory_space<vmem>>[vector<16xi32>, vector<16xi32>], vector<16xf32>,
    %add3A_308 = arith.constant 16 : i32
    %add3A_309 = vector.broadcast %add3A_308 : i32 to vector<16xi32>
    %add3A_310 = arith.addi %iota3A_298, %add3A_309 : vector<16xi32>
    %get3A_311 = arith.constant 0 : i32
    %get3A_312 = arith.index_cast %get3A_311 : i32 to index
    %get3A_313 = arith.constant 112 : index
    %get3A_314 = tpu.vector_load %arg13[%get3A_312, %get3A_313] {strides = array<i32>} : memref<4x128xi32, #tpu.memory_space<vmem>>, vector<16xi32>,
    tpu.vector_store_idx %arg10[%add3A_310, %get3A_314], %broadcast_in_dim3A_300 : memref<32x1000xf32, #tpu.memory_space<vmem>>[vector<16xi32>, vector<16xi32>], vector<16xf32>,
    %iota3A_315 = tpu.iota {dimensions = array<i32: 0>} : vector<16xi32>
    %broadcast_in_dim3A_316 = arith.constant 1.000000e+00 : f32
    %broadcast_in_dim3A_317 = vector.broadcast %broadcast_in_dim3A_316 : f32 to vector<16xf32>
    %add3A_318 = arith.constant 0 : i32
    %add3A_319 = vector.broadcast %add3A_318 : i32 to vector<16xi32>
    %add3A_320 = arith.addi %iota3A_315, %add3A_319 : vector<16xi32>
    %get3A_321 = arith.constant 1 : i32
    %get3A_322 = arith.index_cast %get3A_321 : i32 to index
    %get3A_323 = arith.constant 64 : index
    %get3A_324 = tpu.vector_load %arg13[%get3A_322, %get3A_323] {strides = array<i32>} : memref<4x128xi32, #tpu.memory_space<vmem>>, vector<16xi32>,
    tpu.vector_store_idx %arg10[%add3A_320, %get3A_324], %broadcast_in_dim3A_317 : memref<32x1000xf32, #tpu.memory_space<vmem>>[vector<16xi32>, vector<16xi32>], vector<16xf32>,
    %add3A_325 = arith.constant 16 : i32
    %add3A_326 = vector.broadcast %add3A_325 : i32 to vector<16xi32>
    %add3A_327 = arith.addi %iota3A_315, %add3A_326 : vector<16xi32>
    %get3A_328 = arith.constant 1 : i32
    %get3A_329 = arith.index_cast %get3A_328 : i32 to index
    %get3A_330 = arith.constant 80 : index
    %get3A_331 = tpu.vector_load %arg13[%get3A_329, %get3A_330] {strides = array<i32>} : memref<4x128xi32, #tpu.memory_space<vmem>>, vector<16xi32>,
    tpu.vector_store_idx %arg10[%add3A_327, %get3A_331], %broadcast_in_dim3A_317 : memref<32x1000xf32, #tpu.memory_space<vmem>>[vector<16xi32>, vector<16xi32>], vector<16xf32>,
    %add3A_332 = arith.constant 64 : i32
    %add3A_333 = arith.addi %mul3A_2, %add3A_332 : i32
    %dma_start3A_334 = arith.constant 0 : i32
    %dma_start3A_335 = tpu.memref_slice %arg7[%add3A_333, %dma_start3A_334] : memref<4096x1000xf32, #tpu.memory_space<hbm>> -> memref<32x1000xf32, #tpu.memory_space<hbm>>
    %dma_start3A_336 = arith.constant 0 : i32
    %dma_start3A_337 = tpu.memref_slice %arg7[%add3A_333, %dma_start3A_336] : memref<4096x1000xf32, #tpu.memory_space<hbm>> -> memref<32x1000xf32, #tpu.memory_space<hbm>>
    tpu.enqueue_dma source(%arg10 : memref<32x1000xf32, #tpu.memory_space<vmem>>) target(%dma_start3A_337 : memref<32x1000xf32, #tpu.memory_space<hbm>>) target_semaphore(%arg15 : memref<!tpu.dma_semaphore, #tpu.memory_space<semaphore_mem>>)
    %dma_wait3A_338 = arith.constant 0 : i32
    %dma_wait3A_339 = tpu.memref_slice %arg7[%add3A_245, %dma_wait3A_338] : memref<4096x1000xf32, #tpu.memory_space<hbm>> -> memref<32x1000xf32, #tpu.memory_space<hbm>>
    %dma_wait3A_340 = arith.constant 0 : i32
    %dma_wait3A_341 = tpu.memref_slice %arg7[%add3A_245, %dma_wait3A_340] : memref<4096x1000xf32, #tpu.memory_space<hbm>> -> memref<32x1000xf32, #tpu.memory_space<hbm>>
    tpu.wait_dma2 semaphore(%arg16 : memref<!tpu.dma_semaphore, #tpu.memory_space<semaphore_mem>>) src(%arg11 : memref<32x1000xf32, #tpu.memory_space<vmem>>) dst(%dma_wait3A_341 : memref<32x1000xf32, #tpu.memory_space<hbm>>)
    %iota3A_342 = tpu.iota {dimensions = array<i32: 0>} : vector<16xi32>
    %broadcast_in_dim3A_343 = arith.constant 0.000000e+00 : f32
    %broadcast_in_dim3A_344 = vector.broadcast %broadcast_in_dim3A_343 : f32 to vector<16xf32>
    %add3A_345 = arith.constant 0 : i32
    %add3A_346 = vector.broadcast %add3A_345 : i32 to vector<16xi32>
    %add3A_347 = arith.addi %iota3A_342, %add3A_346 : vector<16xi32>
    %get3A_348 = arith.constant 1 : i32
    %get3A_349 = arith.index_cast %get3A_348 : i32 to index
    %get3A_350 = arith.constant 0 : index
    %get3A_351 = tpu.vector_load %arg13[%get3A_349, %get3A_350] {strides = array<i32>} : memref<4x128xi32, #tpu.memory_space<vmem>>, vector<16xi32>,
    tpu.vector_store_idx %arg11[%add3A_347, %get3A_351], %broadcast_in_dim3A_344 : memref<32x1000xf32, #tpu.memory_space<vmem>>[vector<16xi32>, vector<16xi32>], vector<16xf32>,
    %add3A_352 = arith.constant 16 : i32
    %add3A_353 = vector.broadcast %add3A_352 : i32 to vector<16xi32>
    %add3A_354 = arith.addi %iota3A_342, %add3A_353 : vector<16xi32>
    %get3A_355 = arith.constant 1 : i32
    %get3A_356 = arith.index_cast %get3A_355 : i32 to index
    %get3A_357 = arith.constant 16 : index
    %get3A_358 = tpu.vector_load %arg13[%get3A_356, %get3A_357] {strides = array<i32>} : memref<4x128xi32, #tpu.memory_space<vmem>>, vector<16xi32>,
    tpu.vector_store_idx %arg11[%add3A_354, %get3A_358], %broadcast_in_dim3A_344 : memref<32x1000xf32, #tpu.memory_space<vmem>>[vector<16xi32>, vector<16xi32>], vector<16xf32>,
    %iota3A_359 = tpu.iota {dimensions = array<i32: 0>} : vector<16xi32>
    %broadcast_in_dim3A_360 = arith.constant 1.000000e+00 : f32
    %broadcast_in_dim3A_361 = vector.broadcast %broadcast_in_dim3A_360 : f32 to vector<16xf32>
    %add3A_362 = arith.constant 0 : i32
    %add3A_363 = vector.broadcast %add3A_362 : i32 to vector<16xi32>
    %add3A_364 = arith.addi %iota3A_359, %add3A_363 : vector<16xi32>
    %get3A_365 = arith.constant 1 : i32
    %get3A_366 = arith.index_cast %get3A_365 : i32 to index
    %get3A_367 = arith.constant 96 : index
    %get3A_368 = tpu.vector_load %arg13[%get3A_366, %get3A_367] {strides = array<i32>} : memref<4x128xi32, #tpu.memory_space<vmem>>, vector<16xi32>,
    tpu.vector_store_idx %arg11[%add3A_364, %get3A_368], %broadcast_in_dim3A_361 : memref<32x1000xf32, #tpu.memory_space<vmem>>[vector<16xi32>, vector<16xi32>], vector<16xf32>,
    %add3A_369 = arith.constant 16 : i32
    %add3A_370 = vector.broadcast %add3A_369 : i32 to vector<16xi32>
    %add3A_371 = arith.addi %iota3A_359, %add3A_370 : vector<16xi32>
    %get3A_372 = arith.constant 1 : i32
    %get3A_373 = arith.index_cast %get3A_372 : i32 to index
    %get3A_374 = arith.constant 112 : index
    %get3A_375 = tpu.vector_load %arg13[%get3A_373, %get3A_374] {strides = array<i32>} : memref<4x128xi32, #tpu.memory_space<vmem>>, vector<16xi32>,
    tpu.vector_store_idx %arg11[%add3A_371, %get3A_375], %broadcast_in_dim3A_361 : memref<32x1000xf32, #tpu.memory_space<vmem>>[vector<16xi32>, vector<16xi32>], vector<16xf32>,
    %add3A_376 = arith.constant 96 : i32
    %add3A_377 = arith.addi %mul3A_2, %add3A_376 : i32
    %dma_start3A_378 = arith.constant 0 : i32
    %dma_start3A_379 = tpu.memref_slice %arg7[%add3A_377, %dma_start3A_378] : memref<4096x1000xf32, #tpu.memory_space<hbm>> -> memref<32x1000xf32, #tpu.memory_space<hbm>>
    %dma_start3A_380 = arith.constant 0 : i32
    %dma_start3A_381 = tpu.memref_slice %arg7[%add3A_377, %dma_start3A_380] : memref<4096x1000xf32, #tpu.memory_space<hbm>> -> memref<32x1000xf32, #tpu.memory_space<hbm>>
    tpu.enqueue_dma source(%arg11 : memref<32x1000xf32, #tpu.memory_space<vmem>>) target(%dma_start3A_381 : memref<32x1000xf32, #tpu.memory_space<hbm>>) target_semaphore(%arg16 : memref<!tpu.dma_semaphore, #tpu.memory_space<semaphore_mem>>)
    %dma_wait3A_382 = arith.constant 0 : i32
    %dma_wait3A_383 = tpu.memref_slice %arg7[%add3A_289, %dma_wait3A_382] : memref<4096x1000xf32, #tpu.memory_space<hbm>> -> memref<32x1000xf32, #tpu.memory_space<hbm>>
    %dma_wait3A_384 = arith.constant 0 : i32
    %dma_wait3A_385 = tpu.memref_slice %arg7[%add3A_289, %dma_wait3A_384] : memref<4096x1000xf32, #tpu.memory_space<hbm>> -> memref<32x1000xf32, #tpu.memory_space<hbm>>
    tpu.wait_dma2 semaphore(%arg17 : memref<!tpu.dma_semaphore, #tpu.memory_space<semaphore_mem>>) src(%arg12 : memref<32x1000xf32, #tpu.memory_space<vmem>>) dst(%dma_wait3A_385 : memref<32x1000xf32, #tpu.memory_space<hbm>>)
    %iota3A_386 = tpu.iota {dimensions = array<i32: 0>} : vector<16xi32>
    %broadcast_in_dim3A_387 = arith.constant 0.000000e+00 : f32
    %broadcast_in_dim3A_388 = vector.broadcast %broadcast_in_dim3A_387 : f32 to vector<16xf32>
    %add3A_389 = arith.constant 0 : i32
    %add3A_390 = vector.broadcast %add3A_389 : i32 to vector<16xi32>
    %add3A_391 = arith.addi %iota3A_386, %add3A_390 : vector<16xi32>
    %get3A_392 = arith.constant 1 : i32
    %get3A_393 = arith.index_cast %get3A_392 : i32 to index
    %get3A_394 = arith.constant 32 : index
    %get3A_395 = tpu.vector_load %arg13[%get3A_393, %get3A_394] {strides = array<i32>} : memref<4x128xi32, #tpu.memory_space<vmem>>, vector<16xi32>,
    tpu.vector_store_idx %arg12[%add3A_391, %get3A_395], %broadcast_in_dim3A_388 : memref<32x1000xf32, #tpu.memory_space<vmem>>[vector<16xi32>, vector<16xi32>], vector<16xf32>,
    %add3A_396 = arith.constant 16 : i32
    %add3A_397 = vector.broadcast %add3A_396 : i32 to vector<16xi32>
    %add3A_398 = arith.addi %iota3A_386, %add3A_397 : vector<16xi32>
    %get3A_399 = arith.constant 1 : i32
    %get3A_400 = arith.index_cast %get3A_399 : i32 to index
    %get3A_401 = arith.constant 48 : index
    %get3A_402 = tpu.vector_load %arg13[%get3A_400, %get3A_401] {strides = array<i32>} : memref<4x128xi32, #tpu.memory_space<vmem>>, vector<16xi32>,
    tpu.vector_store_idx %arg12[%add3A_398, %get3A_402], %broadcast_in_dim3A_388 : memref<32x1000xf32, #tpu.memory_space<vmem>>[vector<16xi32>, vector<16xi32>], vector<16xf32>,
    %iota3A_403 = tpu.iota {dimensions = array<i32: 0>} : vector<16xi32>
    %broadcast_in_dim3A_404 = arith.constant 1.000000e+00 : f32
    %broadcast_in_dim3A_405 = vector.broadcast %broadcast_in_dim3A_404 : f32 to vector<16xf32>
    %add3A_406 = arith.constant 0 : i32
    %add3A_407 = vector.broadcast %add3A_406 : i32 to vector<16xi32>
    %add3A_408 = arith.addi %iota3A_403, %add3A_407 : vector<16xi32>
    %get3A_409 = arith.constant 2 : i32
    %get3A_410 = arith.index_cast %get3A_409 : i32 to index
    %get3A_411 = arith.constant 0 : index
    %get3A_412 = tpu.vector_load %arg13[%get3A_410, %get3A_411] {strides = array<i32>} : memref<4x128xi32, #tpu.memory_space<vmem>>, vector<16xi32>,
    tpu.vector_store_idx %arg12[%add3A_408, %get3A_412], %broadcast_in_dim3A_405 : memref<32x1000xf32, #tpu.memory_space<vmem>>[vector<16xi32>, vector<16xi32>], vector<16xf32>,
    %add3A_413 = arith.constant 16 : i32
    %add3A_414 = vector.broadcast %add3A_413 : i32 to vector<16xi32>
    %add3A_415 = arith.addi %iota3A_403, %add3A_414 : vector<16xi32>
    %get3A_416 = arith.constant 2 : i32
    %get3A_417 = arith.index_cast %get3A_416 : i32 to index
    %get3A_418 = arith.constant 16 : index
    %get3A_419 = tpu.vector_load %arg13[%get3A_417, %get3A_418] {strides = array<i32>} : memref<4x128xi32, #tpu.memory_space<vmem>>, vector<16xi32>,
    tpu.vector_store_idx %arg12[%add3A_415, %get3A_419], %broadcast_in_dim3A_405 : memref<32x1000xf32, #tpu.memory_space<vmem>>[vector<16xi32>, vector<16xi32>], vector<16xf32>,
    %add3A_420 = arith.constant 0 : i32
    %add3A_421 = arith.addi %mul3A_2, %add3A_420 : i32
    %dma_start3A_422 = arith.constant 0 : i32
    %dma_start3A_423 = tpu.memref_slice %arg8[%add3A_421, %dma_start3A_422] : memref<4096x1000xf32, #tpu.memory_space<hbm>> -> memref<32x1000xf32, #tpu.memory_space<hbm>>
    %dma_start3A_424 = arith.constant 0 : i32
    %dma_start3A_425 = tpu.memref_slice %arg8[%add3A_421, %dma_start3A_424] : memref<4096x1000xf32, #tpu.memory_space<hbm>> -> memref<32x1000xf32, #tpu.memory_space<hbm>>
    tpu.enqueue_dma source(%arg12 : memref<32x1000xf32, #tpu.memory_space<vmem>>) target(%dma_start3A_425 : memref<32x1000xf32, #tpu.memory_space<hbm>>) target_semaphore(%arg17 : memref<!tpu.dma_semaphore, #tpu.memory_space<semaphore_mem>>)
    %dma_wait3A_426 = arith.constant 0 : i32
    %dma_wait3A_427 = tpu.memref_slice %arg7[%add3A_333, %dma_wait3A_426] : memref<4096x1000xf32, #tpu.memory_space<hbm>> -> memref<32x1000xf32, #tpu.memory_space<hbm>>
    %dma_wait3A_428 = arith.constant 0 : i32
    %dma_wait3A_429 = tpu.memref_slice %arg7[%add3A_333, %dma_wait3A_428] : memref<4096x1000xf32, #tpu.memory_space<hbm>> -> memref<32x1000xf32, #tpu.memory_space<hbm>>
    tpu.wait_dma2 semaphore(%arg15 : memref<!tpu.dma_semaphore, #tpu.memory_space<semaphore_mem>>) src(%arg10 : memref<32x1000xf32, #tpu.memory_space<vmem>>) dst(%dma_wait3A_429 : memref<32x1000xf32, #tpu.memory_space<hbm>>)
    %iota3A_430 = tpu.iota {dimensions = array<i32: 0>} : vector<16xi32>
    %broadcast_in_dim3A_431 = arith.constant 0.000000e+00 : f32
    %broadcast_in_dim3A_432 = vector.broadcast %broadcast_in_dim3A_431 : f32 to vector<16xf32>
    %add3A_433 = arith.constant 0 : i32
    %add3A_434 = vector.broadcast %add3A_433 : i32 to vector<16xi32>
    %add3A_435 = arith.addi %iota3A_430, %add3A_434 : vector<16xi32>
    %get3A_436 = arith.constant 1 : i32
    %get3A_437 = arith.index_cast %get3A_436 : i32 to index
    %get3A_438 = arith.constant 64 : index
    %get3A_439 = tpu.vector_load %arg13[%get3A_437, %get3A_438] {strides = array<i32>} : memref<4x128xi32, #tpu.memory_space<vmem>>, vector<16xi32>,
    tpu.vector_store_idx %arg10[%add3A_435, %get3A_439], %broadcast_in_dim3A_432 : memref<32x1000xf32, #tpu.memory_space<vmem>>[vector<16xi32>, vector<16xi32>], vector<16xf32>,
    %add3A_440 = arith.constant 16 : i32
    %add3A_441 = vector.broadcast %add3A_440 : i32 to vector<16xi32>
    %add3A_442 = arith.addi %iota3A_430, %add3A_441 : vector<16xi32>
    %get3A_443 = arith.constant 1 : i32
    %get3A_444 = arith.index_cast %get3A_443 : i32 to index
    %get3A_445 = arith.constant 80 : index
    %get3A_446 = tpu.vector_load %arg13[%get3A_444, %get3A_445] {strides = array<i32>} : memref<4x128xi32, #tpu.memory_space<vmem>>, vector<16xi32>,
    tpu.vector_store_idx %arg10[%add3A_442, %get3A_446], %broadcast_in_dim3A_432 : memref<32x1000xf32, #tpu.memory_space<vmem>>[vector<16xi32>, vector<16xi32>], vector<16xf32>,
    %iota3A_447 = tpu.iota {dimensions = array<i32: 0>} : vector<16xi32>
    %broadcast_in_dim3A_448 = arith.constant 1.000000e+00 : f32
    %broadcast_in_dim3A_449 = vector.broadcast %broadcast_in_dim3A_448 : f32 to vector<16xf32>
    %add3A_450 = arith.constant 0 : i32
    %add3A_451 = vector.broadcast %add3A_450 : i32 to vector<16xi32>
    %add3A_452 = arith.addi %iota3A_447, %add3A_451 : vector<16xi32>
    %get3A_453 = arith.constant 2 : i32
    %get3A_454 = arith.index_cast %get3A_453 : i32 to index
    %get3A_455 = arith.constant 32 : index
    %get3A_456 = tpu.vector_load %arg13[%get3A_454, %get3A_455] {strides = array<i32>} : memref<4x128xi32, #tpu.memory_space<vmem>>, vector<16xi32>,
    tpu.vector_store_idx %arg10[%add3A_452, %get3A_456], %broadcast_in_dim3A_449 : memref<32x1000xf32, #tpu.memory_space<vmem>>[vector<16xi32>, vector<16xi32>], vector<16xf32>,
    %add3A_457 = arith.constant 16 : i32
    %add3A_458 = vector.broadcast %add3A_457 : i32 to vector<16xi32>
    %add3A_459 = arith.addi %iota3A_447, %add3A_458 : vector<16xi32>
    %get3A_460 = arith.constant 2 : i32
    %get3A_461 = arith.index_cast %get3A_460 : i32 to index
    %get3A_462 = arith.constant 48 : index
    %get3A_463 = tpu.vector_load %arg13[%get3A_461, %get3A_462] {strides = array<i32>} : memref<4x128xi32, #tpu.memory_space<vmem>>, vector<16xi32>,
    tpu.vector_store_idx %arg10[%add3A_459, %get3A_463], %broadcast_in_dim3A_449 : memref<32x1000xf32, #tpu.memory_space<vmem>>[vector<16xi32>, vector<16xi32>], vector<16xf32>,
    %add3A_464 = arith.constant 32 : i32
    %add3A_465 = arith.addi %mul3A_2, %add3A_464 : i32
    %dma_start3A_466 = arith.constant 0 : i32
    %dma_start3A_467 = tpu.memref_slice %arg8[%add3A_465, %dma_start3A_466] : memref<4096x1000xf32, #tpu.memory_space<hbm>> -> memref<32x1000xf32, #tpu.memory_space<hbm>>
    %dma_start3A_468 = arith.constant 0 : i32
    %dma_start3A_469 = tpu.memref_slice %arg8[%add3A_465, %dma_start3A_468] : memref<4096x1000xf32, #tpu.memory_space<hbm>> -> memref<32x1000xf32, #tpu.memory_space<hbm>>
    tpu.enqueue_dma source(%arg10 : memref<32x1000xf32, #tpu.memory_space<vmem>>) target(%dma_start3A_469 : memref<32x1000xf32, #tpu.memory_space<hbm>>) target_semaphore(%arg15 : memref<!tpu.dma_semaphore, #tpu.memory_space<semaphore_mem>>)
    %dma_wait3A_470 = arith.constant 0 : i32
    %dma_wait3A_471 = tpu.memref_slice %arg7[%add3A_377, %dma_wait3A_470] : memref<4096x1000xf32, #tpu.memory_space<hbm>> -> memref<32x1000xf32, #tpu.memory_space<hbm>>
    %dma_wait3A_472 = arith.constant 0 : i32
    %dma_wait3A_473 = tpu.memref_slice %arg7[%add3A_377, %dma_wait3A_472] : memref<4096x1000xf32, #tpu.memory_space<hbm>> -> memref<32x1000xf32, #tpu.memory_space<hbm>>
    tpu.wait_dma2 semaphore(%arg16 : memref<!tpu.dma_semaphore, #tpu.memory_space<semaphore_mem>>) src(%arg11 : memref<32x1000xf32, #tpu.memory_space<vmem>>) dst(%dma_wait3A_473 : memref<32x1000xf32, #tpu.memory_space<hbm>>)
    %iota3A_474 = tpu.iota {dimensions = array<i32: 0>} : vector<16xi32>
    %broadcast_in_dim3A_475 = arith.constant 0.000000e+00 : f32
    %broadcast_in_dim3A_476 = vector.broadcast %broadcast_in_dim3A_475 : f32 to vector<16xf32>
    %add3A_477 = arith.constant 0 : i32
    %add3A_478 = vector.broadcast %add3A_477 : i32 to vector<16xi32>
    %add3A_479 = arith.addi %iota3A_474, %add3A_478 : vector<16xi32>
    %get3A_480 = arith.constant 1 : i32
    %get3A_481 = arith.index_cast %get3A_480 : i32 to index
    %get3A_482 = arith.constant 96 : index
    %get3A_483 = tpu.vector_load %arg13[%get3A_481, %get3A_482] {strides = array<i32>} : memref<4x128xi32, #tpu.memory_space<vmem>>, vector<16xi32>,
    tpu.vector_store_idx %arg11[%add3A_479, %get3A_483], %broadcast_in_dim3A_476 : memref<32x1000xf32, #tpu.memory_space<vmem>>[vector<16xi32>, vector<16xi32>], vector<16xf32>,
    %add3A_484 = arith.constant 16 : i32
    %add3A_485 = vector.broadcast %add3A_484 : i32 to vector<16xi32>
    %add3A_486 = arith.addi %iota3A_474, %add3A_485 : vector<16xi32>
    %get3A_487 = arith.constant 1 : i32
    %get3A_488 = arith.index_cast %get3A_487 : i32 to index
    %get3A_489 = arith.constant 112 : index
    %get3A_490 = tpu.vector_load %arg13[%get3A_488, %get3A_489] {strides = array<i32>} : memref<4x128xi32, #tpu.memory_space<vmem>>, vector<16xi32>,
    tpu.vector_store_idx %arg11[%add3A_486, %get3A_490], %broadcast_in_dim3A_476 : memref<32x1000xf32, #tpu.memory_space<vmem>>[vector<16xi32>, vector<16xi32>], vector<16xf32>,
    %iota3A_491 = tpu.iota {dimensions = array<i32: 0>} : vector<16xi32>
    %broadcast_in_dim3A_492 = arith.constant 1.000000e+00 : f32
    %broadcast_in_dim3A_493 = vector.broadcast %broadcast_in_dim3A_492 : f32 to vector<16xf32>
    %add3A_494 = arith.constant 0 : i32
    %add3A_495 = vector.broadcast %add3A_494 : i32 to vector<16xi32>
    %add3A_496 = arith.addi %iota3A_491, %add3A_495 : vector<16xi32>
    %get3A_497 = arith.constant 2 : i32
    %get3A_498 = arith.index_cast %get3A_497 : i32 to index
    %get3A_499 = arith.constant 64 : index
    %get3A_500 = tpu.vector_load %arg13[%get3A_498, %get3A_499] {strides = array<i32>} : memref<4x128xi32, #tpu.memory_space<vmem>>, vector<16xi32>,
    tpu.vector_store_idx %arg11[%add3A_496, %get3A_500], %broadcast_in_dim3A_493 : memref<32x1000xf32, #tpu.memory_space<vmem>>[vector<16xi32>, vector<16xi32>], vector<16xf32>,
    %add3A_501 = arith.constant 16 : i32
    %add3A_502 = vector.broadcast %add3A_501 : i32 to vector<16xi32>
    %add3A_503 = arith.addi %iota3A_491, %add3A_502 : vector<16xi32>
    %get3A_504 = arith.constant 2 : i32
    %get3A_505 = arith.index_cast %get3A_504 : i32 to index
    %get3A_506 = arith.constant 80 : index
    %get3A_507 = tpu.vector_load %arg13[%get3A_505, %get3A_506] {strides = array<i32>} : memref<4x128xi32, #tpu.memory_space<vmem>>, vector<16xi32>,
    tpu.vector_store_idx %arg11[%add3A_503, %get3A_507], %broadcast_in_dim3A_493 : memref<32x1000xf32, #tpu.memory_space<vmem>>[vector<16xi32>, vector<16xi32>], vector<16xf32>,
    %add3A_508 = arith.constant 64 : i32
    %add3A_509 = arith.addi %mul3A_2, %add3A_508 : i32
    %dma_start3A_510 = arith.constant 0 : i32
    %dma_start3A_511 = tpu.memref_slice %arg8[%add3A_509, %dma_start3A_510] : memref<4096x1000xf32, #tpu.memory_space<hbm>> -> memref<32x1000xf32, #tpu.memory_space<hbm>>
    %dma_start3A_512 = arith.constant 0 : i32
    %dma_start3A_513 = tpu.memref_slice %arg8[%add3A_509, %dma_start3A_512] : memref<4096x1000xf32, #tpu.memory_space<hbm>> -> memref<32x1000xf32, #tpu.memory_space<hbm>>
    tpu.enqueue_dma source(%arg11 : memref<32x1000xf32, #tpu.memory_space<vmem>>) target(%dma_start3A_513 : memref<32x1000xf32, #tpu.memory_space<hbm>>) target_semaphore(%arg16 : memref<!tpu.dma_semaphore, #tpu.memory_space<semaphore_mem>>)
    %dma_wait3A_514 = arith.constant 0 : i32
    %dma_wait3A_515 = tpu.memref_slice %arg8[%add3A_421, %dma_wait3A_514] : memref<4096x1000xf32, #tpu.memory_space<hbm>> -> memref<32x1000xf32, #tpu.memory_space<hbm>>
    %dma_wait3A_516 = arith.constant 0 : i32
    %dma_wait3A_517 = tpu.memref_slice %arg8[%add3A_421, %dma_wait3A_516] : memref<4096x1000xf32, #tpu.memory_space<hbm>> -> memref<32x1000xf32, #tpu.memory_space<hbm>>
    tpu.wait_dma2 semaphore(%arg17 : memref<!tpu.dma_semaphore, #tpu.memory_space<semaphore_mem>>) src(%arg12 : memref<32x1000xf32, #tpu.memory_space<vmem>>) dst(%dma_wait3A_517 : memref<32x1000xf32, #tpu.memory_space<hbm>>)
    %iota3A_518 = tpu.iota {dimensions = array<i32: 0>} : vector<16xi32>
    %broadcast_in_dim3A_519 = arith.constant 0.000000e+00 : f32
    %broadcast_in_dim3A_520 = vector.broadcast %broadcast_in_dim3A_519 : f32 to vector<16xf32>
    %add3A_521 = arith.constant 0 : i32
    %add3A_522 = vector.broadcast %add3A_521 : i32 to vector<16xi32>
    %add3A_523 = arith.addi %iota3A_518, %add3A_522 : vector<16xi32>
    %get3A_524 = arith.constant 2 : i32
    %get3A_525 = arith.index_cast %get3A_524 : i32 to index
    %get3A_526 = arith.constant 0 : index
    %get3A_527 = tpu.vector_load %arg13[%get3A_525, %get3A_526] {strides = array<i32>} : memref<4x128xi32, #tpu.memory_space<vmem>>, vector<16xi32>,
    tpu.vector_store_idx %arg12[%add3A_523, %get3A_527], %broadcast_in_dim3A_520 : memref<32x1000xf32, #tpu.memory_space<vmem>>[vector<16xi32>, vector<16xi32>], vector<16xf32>,
    %add3A_528 = arith.constant 16 : i32
    %add3A_529 = vector.broadcast %add3A_528 : i32 to vector<16xi32>
    %add3A_530 = arith.addi %iota3A_518, %add3A_529 : vector<16xi32>
    %get3A_531 = arith.constant 2 : i32
    %get3A_532 = arith.index_cast %get3A_531 : i32 to index
    %get3A_533 = arith.constant 16 : index
    %get3A_534 = tpu.vector_load %arg13[%get3A_532, %get3A_533] {strides = array<i32>} : memref<4x128xi32, #tpu.memory_space<vmem>>, vector<16xi32>,
    tpu.vector_store_idx %arg12[%add3A_530, %get3A_534], %broadcast_in_dim3A_520 : memref<32x1000xf32, #tpu.memory_space<vmem>>[vector<16xi32>, vector<16xi32>], vector<16xf32>,
    %iota3A_535 = tpu.iota {dimensions = array<i32: 0>} : vector<16xi32>
    %broadcast_in_dim3A_536 = arith.constant 1.000000e+00 : f32
    %broadcast_in_dim3A_537 = vector.broadcast %broadcast_in_dim3A_536 : f32 to vector<16xf32>
    %add3A_538 = arith.constant 0 : i32
    %add3A_539 = vector.broadcast %add3A_538 : i32 to vector<16xi32>
    %add3A_540 = arith.addi %iota3A_535, %add3A_539 : vector<16xi32>
    %get3A_541 = arith.constant 2 : i32
    %get3A_542 = arith.index_cast %get3A_541 : i32 to index
    %get3A_543 = arith.constant 96 : index
    %get3A_544 = tpu.vector_load %arg13[%get3A_542, %get3A_543] {strides = array<i32>} : memref<4x128xi32, #tpu.memory_space<vmem>>, vector<16xi32>,
    tpu.vector_store_idx %arg12[%add3A_540, %get3A_544], %broadcast_in_dim3A_537 : memref<32x1000xf32, #tpu.memory_space<vmem>>[vector<16xi32>, vector<16xi32>], vector<16xf32>,
    %add3A_545 = arith.constant 16 : i32
    %add3A_546 = vector.broadcast %add3A_545 : i32 to vector<16xi32>
    %add3A_547 = arith.addi %iota3A_535, %add3A_546 : vector<16xi32>
    %get3A_548 = arith.constant 2 : i32
    %get3A_549 = arith.index_cast %get3A_548 : i32 to index
    %get3A_550 = arith.constant 112 : index
    %get3A_551 = tpu.vector_load %arg13[%get3A_549, %get3A_550] {strides = array<i32>} : memref<4x128xi32, #tpu.memory_space<vmem>>, vector<16xi32>,
    tpu.vector_store_idx %arg12[%add3A_547, %get3A_551], %broadcast_in_dim3A_537 : memref<32x1000xf32, #tpu.memory_space<vmem>>[vector<16xi32>, vector<16xi32>], vector<16xf32>,
    %add3A_552 = arith.constant 96 : i32
    %add3A_553 = arith.addi %mul3A_2, %add3A_552 : i32
    %dma_start3A_554 = arith.constant 0 : i32
    %dma_start3A_555 = tpu.memref_slice %arg8[%add3A_553, %dma_start3A_554] : memref<4096x1000xf32, #tpu.memory_space<hbm>> -> memref<32x1000xf32, #tpu.memory_space<hbm>>
    %dma_start3A_556 = arith.constant 0 : i32
    %dma_start3A_557 = tpu.memref_slice %arg8[%add3A_553, %dma_start3A_556] : memref<4096x1000xf32, #tpu.memory_space<hbm>> -> memref<32x1000xf32, #tpu.memory_space<hbm>>
    tpu.enqueue_dma source(%arg12 : memref<32x1000xf32, #tpu.memory_space<vmem>>) target(%dma_start3A_557 : memref<32x1000xf32, #tpu.memory_space<hbm>>) target_semaphore(%arg17 : memref<!tpu.dma_semaphore, #tpu.memory_space<semaphore_mem>>)
    %dma_wait3A_558 = arith.constant 0 : i32
    %dma_wait3A_559 = tpu.memref_slice %arg8[%add3A_465, %dma_wait3A_558] : memref<4096x1000xf32, #tpu.memory_space<hbm>> -> memref<32x1000xf32, #tpu.memory_space<hbm>>
    %dma_wait3A_560 = arith.constant 0 : i32
    %dma_wait3A_561 = tpu.memref_slice %arg8[%add3A_465, %dma_wait3A_560] : memref<4096x1000xf32, #tpu.memory_space<hbm>> -> memref<32x1000xf32, #tpu.memory_space<hbm>>
    tpu.wait_dma2 semaphore(%arg15 : memref<!tpu.dma_semaphore, #tpu.memory_space<semaphore_mem>>) src(%arg10 : memref<32x1000xf32, #tpu.memory_space<vmem>>) dst(%dma_wait3A_561 : memref<32x1000xf32, #tpu.memory_space<hbm>>)
    %iota3A_562 = tpu.iota {dimensions = array<i32: 0>} : vector<16xi32>
    %broadcast_in_dim3A_563 = arith.constant 0.000000e+00 : f32
    %broadcast_in_dim3A_564 = vector.broadcast %broadcast_in_dim3A_563 : f32 to vector<16xf32>
    %add3A_565 = arith.constant 0 : i32
    %add3A_566 = vector.broadcast %add3A_565 : i32 to vector<16xi32>
    %add3A_567 = arith.addi %iota3A_562, %add3A_566 : vector<16xi32>
    %get3A_568 = arith.constant 2 : i32
    %get3A_569 = arith.index_cast %get3A_568 : i32 to index
    %get3A_570 = arith.constant 32 : index
    %get3A_571 = tpu.vector_load %arg13[%get3A_569, %get3A_570] {strides = array<i32>} : memref<4x128xi32, #tpu.memory_space<vmem>>, vector<16xi32>,
    tpu.vector_store_idx %arg10[%add3A_567, %get3A_571], %broadcast_in_dim3A_564 : memref<32x1000xf32, #tpu.memory_space<vmem>>[vector<16xi32>, vector<16xi32>], vector<16xf32>,
    %add3A_572 = arith.constant 16 : i32
    %add3A_573 = vector.broadcast %add3A_572 : i32 to vector<16xi32>
    %add3A_574 = arith.addi %iota3A_562, %add3A_573 : vector<16xi32>
    %get3A_575 = arith.constant 2 : i32
    %get3A_576 = arith.index_cast %get3A_575 : i32 to index
    %get3A_577 = arith.constant 48 : index
    %get3A_578 = tpu.vector_load %arg13[%get3A_576, %get3A_577] {strides = array<i32>} : memref<4x128xi32, #tpu.memory_space<vmem>>, vector<16xi32>,
    tpu.vector_store_idx %arg10[%add3A_574, %get3A_578], %broadcast_in_dim3A_564 : memref<32x1000xf32, #tpu.memory_space<vmem>>[vector<16xi32>, vector<16xi32>], vector<16xf32>,
    %iota3A_579 = tpu.iota {dimensions = array<i32: 0>} : vector<16xi32>
    %broadcast_in_dim3A_580 = arith.constant 1.000000e+00 : f32
    %broadcast_in_dim3A_581 = vector.broadcast %broadcast_in_dim3A_580 : f32 to vector<16xf32>
    %add3A_582 = arith.constant 0 : i32
    %add3A_583 = vector.broadcast %add3A_582 : i32 to vector<16xi32>
    %add3A_584 = arith.addi %iota3A_579, %add3A_583 : vector<16xi32>
    %get3A_585 = arith.constant 3 : i32
    %get3A_586 = arith.index_cast %get3A_585 : i32 to index
    %get3A_587 = arith.constant 0 : index
    %get3A_588 = tpu.vector_load %arg13[%get3A_586, %get3A_587] {strides = array<i32>} : memref<4x128xi32, #tpu.memory_space<vmem>>, vector<16xi32>,
    tpu.vector_store_idx %arg10[%add3A_584, %get3A_588], %broadcast_in_dim3A_581 : memref<32x1000xf32, #tpu.memory_space<vmem>>[vector<16xi32>, vector<16xi32>], vector<16xf32>,
    %add3A_589 = arith.constant 16 : i32
    %add3A_590 = vector.broadcast %add3A_589 : i32 to vector<16xi32>
    %add3A_591 = arith.addi %iota3A_579, %add3A_590 : vector<16xi32>
    %get3A_592 = arith.constant 3 : i32
    %get3A_593 = arith.index_cast %get3A_592 : i32 to index
    %get3A_594 = arith.constant 16 : index
    %get3A_595 = tpu.vector_load %arg13[%get3A_593, %get3A_594] {strides = array<i32>} : memref<4x128xi32, #tpu.memory_space<vmem>>, vector<16xi32>,
    tpu.vector_store_idx %arg10[%add3A_591, %get3A_595], %broadcast_in_dim3A_581 : memref<32x1000xf32, #tpu.memory_space<vmem>>[vector<16xi32>, vector<16xi32>], vector<16xf32>,
    %add3A_596 = arith.constant 0 : i32
    %add3A_597 = arith.addi %mul3A_2, %add3A_596 : i32
    %dma_start3A_598 = arith.constant 0 : i32
    %dma_start3A_599 = tpu.memref_slice %arg9[%add3A_597, %dma_start3A_598] : memref<4096x1000xf32, #tpu.memory_space<hbm>> -> memref<32x1000xf32, #tpu.memory_space<hbm>>
    %dma_start3A_600 = arith.constant 0 : i32
    %dma_start3A_601 = tpu.memref_slice %arg9[%add3A_597, %dma_start3A_600] : memref<4096x1000xf32, #tpu.memory_space<hbm>> -> memref<32x1000xf32, #tpu.memory_space<hbm>>
    tpu.enqueue_dma source(%arg10 : memref<32x1000xf32, #tpu.memory_space<vmem>>) target(%dma_start3A_601 : memref<32x1000xf32, #tpu.memory_space<hbm>>) target_semaphore(%arg15 : memref<!tpu.dma_semaphore, #tpu.memory_space<semaphore_mem>>)
    %dma_wait3A_602 = arith.constant 0 : i32
    %dma_wait3A_603 = tpu.memref_slice %arg8[%add3A_509, %dma_wait3A_602] : memref<4096x1000xf32, #tpu.memory_space<hbm>> -> memref<32x1000xf32, #tpu.memory_space<hbm>>
    %dma_wait3A_604 = arith.constant 0 : i32
    %dma_wait3A_605 = tpu.memref_slice %arg8[%add3A_509, %dma_wait3A_604] : memref<4096x1000xf32, #tpu.memory_space<hbm>> -> memref<32x1000xf32, #tpu.memory_space<hbm>>
    tpu.wait_dma2 semaphore(%arg16 : memref<!tpu.dma_semaphore, #tpu.memory_space<semaphore_mem>>) src(%arg11 : memref<32x1000xf32, #tpu.memory_space<vmem>>) dst(%dma_wait3A_605 : memref<32x1000xf32, #tpu.memory_space<hbm>>)
    %iota3A_606 = tpu.iota {dimensions = array<i32: 0>} : vector<16xi32>
    %broadcast_in_dim3A_607 = arith.constant 0.000000e+00 : f32
    %broadcast_in_dim3A_608 = vector.broadcast %broadcast_in_dim3A_607 : f32 to vector<16xf32>
    %add3A_609 = arith.constant 0 : i32
    %add3A_610 = vector.broadcast %add3A_609 : i32 to vector<16xi32>
    %add3A_611 = arith.addi %iota3A_606, %add3A_610 : vector<16xi32>
    %get3A_612 = arith.constant 2 : i32
    %get3A_613 = arith.index_cast %get3A_612 : i32 to index
    %get3A_614 = arith.constant 64 : index
    %get3A_615 = tpu.vector_load %arg13[%get3A_613, %get3A_614] {strides = array<i32>} : memref<4x128xi32, #tpu.memory_space<vmem>>, vector<16xi32>,
    tpu.vector_store_idx %arg11[%add3A_611, %get3A_615], %broadcast_in_dim3A_608 : memref<32x1000xf32, #tpu.memory_space<vmem>>[vector<16xi32>, vector<16xi32>], vector<16xf32>,
    %add3A_616 = arith.constant 16 : i32
    %add3A_617 = vector.broadcast %add3A_616 : i32 to vector<16xi32>
    %add3A_618 = arith.addi %iota3A_606, %add3A_617 : vector<16xi32>
    %get3A_619 = arith.constant 2 : i32
    %get3A_620 = arith.index_cast %get3A_619 : i32 to index
    %get3A_621 = arith.constant 80 : index
    %get3A_622 = tpu.vector_load %arg13[%get3A_620, %get3A_621] {strides = array<i32>} : memref<4x128xi32, #tpu.memory_space<vmem>>, vector<16xi32>,
    tpu.vector_store_idx %arg11[%add3A_618, %get3A_622], %broadcast_in_dim3A_608 : memref<32x1000xf32, #tpu.memory_space<vmem>>[vector<16xi32>, vector<16xi32>], vector<16xf32>,
    %iota3A_623 = tpu.iota {dimensions = array<i32: 0>} : vector<16xi32>
    %broadcast_in_dim3A_624 = arith.constant 1.000000e+00 : f32
    %broadcast_in_dim3A_625 = vector.broadcast %broadcast_in_dim3A_624 : f32 to vector<16xf32>
    %add3A_626 = arith.constant 0 : i32
    %add3A_627 = vector.broadcast %add3A_626 : i32 to vector<16xi32>
    %add3A_628 = arith.addi %iota3A_623, %add3A_627 : vector<16xi32>
    %get3A_629 = arith.constant 3 : i32
    %get3A_630 = arith.index_cast %get3A_629 : i32 to index
    %get3A_631 = arith.constant 32 : index
    %get3A_632 = tpu.vector_load %arg13[%get3A_630, %get3A_631] {strides = array<i32>} : memref<4x128xi32, #tpu.memory_space<vmem>>, vector<16xi32>,
    tpu.vector_store_idx %arg11[%add3A_628, %get3A_632], %broadcast_in_dim3A_625 : memref<32x1000xf32, #tpu.memory_space<vmem>>[vector<16xi32>, vector<16xi32>], vector<16xf32>,
    %add3A_633 = arith.constant 16 : i32
    %add3A_634 = vector.broadcast %add3A_633 : i32 to vector<16xi32>
    %add3A_635 = arith.addi %iota3A_623, %add3A_634 : vector<16xi32>
    %get3A_636 = arith.constant 3 : i32
    %get3A_637 = arith.index_cast %get3A_636 : i32 to index
    %get3A_638 = arith.constant 48 : index
    %get3A_639 = tpu.vector_load %arg13[%get3A_637, %get3A_638] {strides = array<i32>} : memref<4x128xi32, #tpu.memory_space<vmem>>, vector<16xi32>,
    tpu.vector_store_idx %arg11[%add3A_635, %get3A_639], %broadcast_in_dim3A_625 : memref<32x1000xf32, #tpu.memory_space<vmem>>[vector<16xi32>, vector<16xi32>], vector<16xf32>,
    %add3A_640 = arith.constant 32 : i32
    %add3A_641 = arith.addi %mul3A_2, %add3A_640 : i32
    %dma_start3A_642 = arith.constant 0 : i32
    %dma_start3A_643 = tpu.memref_slice %arg9[%add3A_641, %dma_start3A_642] : memref<4096x1000xf32, #tpu.memory_space<hbm>> -> memref<32x1000xf32, #tpu.memory_space<hbm>>
    %dma_start3A_644 = arith.constant 0 : i32
    %dma_start3A_645 = tpu.memref_slice %arg9[%add3A_641, %dma_start3A_644] : memref<4096x1000xf32, #tpu.memory_space<hbm>> -> memref<32x1000xf32, #tpu.memory_space<hbm>>
    tpu.enqueue_dma source(%arg11 : memref<32x1000xf32, #tpu.memory_space<vmem>>) target(%dma_start3A_645 : memref<32x1000xf32, #tpu.memory_space<hbm>>) target_semaphore(%arg16 : memref<!tpu.dma_semaphore, #tpu.memory_space<semaphore_mem>>)
    %dma_wait3A_646 = arith.constant 0 : i32
    %dma_wait3A_647 = tpu.memref_slice %arg8[%add3A_553, %dma_wait3A_646] : memref<4096x1000xf32, #tpu.memory_space<hbm>> -> memref<32x1000xf32, #tpu.memory_space<hbm>>
    %dma_wait3A_648 = arith.constant 0 : i32
    %dma_wait3A_649 = tpu.memref_slice %arg8[%add3A_553, %dma_wait3A_648] : memref<4096x1000xf32, #tpu.memory_space<hbm>> -> memref<32x1000xf32, #tpu.memory_space<hbm>>
    tpu.wait_dma2 semaphore(%arg17 : memref<!tpu.dma_semaphore, #tpu.memory_space<semaphore_mem>>) src(%arg12 : memref<32x1000xf32, #tpu.memory_space<vmem>>) dst(%dma_wait3A_649 : memref<32x1000xf32, #tpu.memory_space<hbm>>)
    %iota3A_650 = tpu.iota {dimensions = array<i32: 0>} : vector<16xi32>
    %broadcast_in_dim3A_651 = arith.constant 0.000000e+00 : f32
    %broadcast_in_dim3A_652 = vector.broadcast %broadcast_in_dim3A_651 : f32 to vector<16xf32>
    %add3A_653 = arith.constant 0 : i32
    %add3A_654 = vector.broadcast %add3A_653 : i32 to vector<16xi32>
    %add3A_655 = arith.addi %iota3A_650, %add3A_654 : vector<16xi32>
    %get3A_656 = arith.constant 2 : i32
    %get3A_657 = arith.index_cast %get3A_656 : i32 to index
    %get3A_658 = arith.constant 96 : index
    %get3A_659 = tpu.vector_load %arg13[%get3A_657, %get3A_658] {strides = array<i32>} : memref<4x128xi32, #tpu.memory_space<vmem>>, vector<16xi32>,
    tpu.vector_store_idx %arg12[%add3A_655, %get3A_659], %broadcast_in_dim3A_652 : memref<32x1000xf32, #tpu.memory_space<vmem>>[vector<16xi32>, vector<16xi32>], vector<16xf32>,
    %add3A_660 = arith.constant 16 : i32
    %add3A_661 = vector.broadcast %add3A_660 : i32 to vector<16xi32>
    %add3A_662 = arith.addi %iota3A_650, %add3A_661 : vector<16xi32>
    %get3A_663 = arith.constant 2 : i32
    %get3A_664 = arith.index_cast %get3A_663 : i32 to index
    %get3A_665 = arith.constant 112 : index
    %get3A_666 = tpu.vector_load %arg13[%get3A_664, %get3A_665] {strides = array<i32>} : memref<4x128xi32, #tpu.memory_space<vmem>>, vector<16xi32>,
    tpu.vector_store_idx %arg12[%add3A_662, %get3A_666], %broadcast_in_dim3A_652 : memref<32x1000xf32, #tpu.memory_space<vmem>>[vector<16xi32>, vector<16xi32>], vector<16xf32>,
    %iota3A_667 = tpu.iota {dimensions = array<i32: 0>} : vector<16xi32>
    %broadcast_in_dim3A_668 = arith.constant 1.000000e+00 : f32
    %broadcast_in_dim3A_669 = vector.broadcast %broadcast_in_dim3A_668 : f32 to vector<16xf32>
    %add3A_670 = arith.constant 0 : i32
    %add3A_671 = vector.broadcast %add3A_670 : i32 to vector<16xi32>
    %add3A_672 = arith.addi %iota3A_667, %add3A_671 : vector<16xi32>
    %get3A_673 = arith.constant 3 : i32
    %get3A_674 = arith.index_cast %get3A_673 : i32 to index
    %get3A_675 = arith.constant 64 : index
    %get3A_676 = tpu.vector_load %arg13[%get3A_674, %get3A_675] {strides = array<i32>} : memref<4x128xi32, #tpu.memory_space<vmem>>, vector<16xi32>,
    tpu.vector_store_idx %arg12[%add3A_672, %get3A_676], %broadcast_in_dim3A_669 : memref<32x1000xf32, #tpu.memory_space<vmem>>[vector<16xi32>, vector<16xi32>], vector<16xf32>,
    %add3A_677 = arith.constant 16 : i32
    %add3A_678 = vector.broadcast %add3A_677 : i32 to vector<16xi32>
    %add3A_679 = arith.addi %iota3A_667, %add3A_678 : vector<16xi32>
    %get3A_680 = arith.constant 3 : i32
    %get3A_681 = arith.index_cast %get3A_680 : i32 to index
    %get3A_682 = arith.constant 80 : index
    %get3A_683 = tpu.vector_load %arg13[%get3A_681, %get3A_682] {strides = array<i32>} : memref<4x128xi32, #tpu.memory_space<vmem>>, vector<16xi32>,
    tpu.vector_store_idx %arg12[%add3A_679, %get3A_683], %broadcast_in_dim3A_669 : memref<32x1000xf32, #tpu.memory_space<vmem>>[vector<16xi32>, vector<16xi32>], vector<16xf32>,
    %add3A_684 = arith.constant 64 : i32
    %add3A_685 = arith.addi %mul3A_2, %add3A_684 : i32
    %dma_start3A_686 = arith.constant 0 : i32
    %dma_start3A_687 = tpu.memref_slice %arg9[%add3A_685, %dma_start3A_686] : memref<4096x1000xf32, #tpu.memory_space<hbm>> -> memref<32x1000xf32, #tpu.memory_space<hbm>>
    %dma_start3A_688 = arith.constant 0 : i32
    %dma_start3A_689 = tpu.memref_slice %arg9[%add3A_685, %dma_start3A_688] : memref<4096x1000xf32, #tpu.memory_space<hbm>> -> memref<32x1000xf32, #tpu.memory_space<hbm>>
    tpu.enqueue_dma source(%arg12 : memref<32x1000xf32, #tpu.memory_space<vmem>>) target(%dma_start3A_689 : memref<32x1000xf32, #tpu.memory_space<hbm>>) target_semaphore(%arg17 : memref<!tpu.dma_semaphore, #tpu.memory_space<semaphore_mem>>)
    %dma_wait3A_690 = arith.constant 0 : i32
    %dma_wait3A_691 = tpu.memref_slice %arg9[%add3A_597, %dma_wait3A_690] : memref<4096x1000xf32, #tpu.memory_space<hbm>> -> memref<32x1000xf32, #tpu.memory_space<hbm>>
    %dma_wait3A_692 = arith.constant 0 : i32
    %dma_wait3A_693 = tpu.memref_slice %arg9[%add3A_597, %dma_wait3A_692] : memref<4096x1000xf32, #tpu.memory_space<hbm>> -> memref<32x1000xf32, #tpu.memory_space<hbm>>
    tpu.wait_dma2 semaphore(%arg15 : memref<!tpu.dma_semaphore, #tpu.memory_space<semaphore_mem>>) src(%arg10 : memref<32x1000xf32, #tpu.memory_space<vmem>>) dst(%dma_wait3A_693 : memref<32x1000xf32, #tpu.memory_space<hbm>>)
    %iota3A_694 = tpu.iota {dimensions = array<i32: 0>} : vector<16xi32>
    %broadcast_in_dim3A_695 = arith.constant 0.000000e+00 : f32
    %broadcast_in_dim3A_696 = vector.broadcast %broadcast_in_dim3A_695 : f32 to vector<16xf32>
    %add3A_697 = arith.constant 0 : i32
    %add3A_698 = vector.broadcast %add3A_697 : i32 to vector<16xi32>
    %add3A_699 = arith.addi %iota3A_694, %add3A_698 : vector<16xi32>
    %get3A_700 = arith.constant 3 : i32
    %get3A_701 = arith.index_cast %get3A_700 : i32 to index
    %get3A_702 = arith.constant 0 : index
    %get3A_703 = tpu.vector_load %arg13[%get3A_701, %get3A_702] {strides = array<i32>} : memref<4x128xi32, #tpu.memory_space<vmem>>, vector<16xi32>,
    tpu.vector_store_idx %arg10[%add3A_699, %get3A_703], %broadcast_in_dim3A_696 : memref<32x1000xf32, #tpu.memory_space<vmem>>[vector<16xi32>, vector<16xi32>], vector<16xf32>,
    %add3A_704 = arith.constant 16 : i32
    %add3A_705 = vector.broadcast %add3A_704 : i32 to vector<16xi32>
    %add3A_706 = arith.addi %iota3A_694, %add3A_705 : vector<16xi32>
    %get3A_707 = arith.constant 3 : i32
    %get3A_708 = arith.index_cast %get3A_707 : i32 to index
    %get3A_709 = arith.constant 16 : index
    %get3A_710 = tpu.vector_load %arg13[%get3A_708, %get3A_709] {strides = array<i32>} : memref<4x128xi32, #tpu.memory_space<vmem>>, vector<16xi32>,
    tpu.vector_store_idx %arg10[%add3A_706, %get3A_710], %broadcast_in_dim3A_696 : memref<32x1000xf32, #tpu.memory_space<vmem>>[vector<16xi32>, vector<16xi32>], vector<16xf32>,
    %iota3A_711 = tpu.iota {dimensions = array<i32: 0>} : vector<16xi32>
    %broadcast_in_dim3A_712 = arith.constant 1.000000e+00 : f32
    %broadcast_in_dim3A_713 = vector.broadcast %broadcast_in_dim3A_712 : f32 to vector<16xf32>
    %add3A_714 = arith.constant 0 : i32
    %add3A_715 = vector.broadcast %add3A_714 : i32 to vector<16xi32>
    %add3A_716 = arith.addi %iota3A_711, %add3A_715 : vector<16xi32>
    %get3A_717 = arith.constant 3 : i32
    %get3A_718 = arith.index_cast %get3A_717 : i32 to index
    %get3A_719 = arith.constant 96 : index
    %get3A_720 = tpu.vector_load %arg13[%get3A_718, %get3A_719] {strides = array<i32>} : memref<4x128xi32, #tpu.memory_space<vmem>>, vector<16xi32>,
    tpu.vector_store_idx %arg10[%add3A_716, %get3A_720], %broadcast_in_dim3A_713 : memref<32x1000xf32, #tpu.memory_space<vmem>>[vector<16xi32>, vector<16xi32>], vector<16xf32>,
    %add3A_721 = arith.constant 16 : i32
    %add3A_722 = vector.broadcast %add3A_721 : i32 to vector<16xi32>
    %add3A_723 = arith.addi %iota3A_711, %add3A_722 : vector<16xi32>
    %get3A_724 = arith.constant 3 : i32
    %get3A_725 = arith.index_cast %get3A_724 : i32 to index
    %get3A_726 = arith.constant 112 : index
    %get3A_727 = tpu.vector_load %arg13[%get3A_725, %get3A_726] {strides = array<i32>} : memref<4x128xi32, #tpu.memory_space<vmem>>, vector<16xi32>,
    tpu.vector_store_idx %arg10[%add3A_723, %get3A_727], %broadcast_in_dim3A_713 : memref<32x1000xf32, #tpu.memory_space<vmem>>[vector<16xi32>, vector<16xi32>], vector<16xf32>,
    %add3A_728 = arith.constant 96 : i32
    %add3A_729 = arith.addi %mul3A_2, %add3A_728 : i32
    %dma_start3A_730 = arith.constant 0 : i32
    %dma_start3A_731 = tpu.memref_slice %arg9[%add3A_729, %dma_start3A_730] : memref<4096x1000xf32, #tpu.memory_space<hbm>> -> memref<32x1000xf32, #tpu.memory_space<hbm>>
    %dma_start3A_732 = arith.constant 0 : i32
    %dma_start3A_733 = tpu.memref_slice %arg9[%add3A_729, %dma_start3A_732] : memref<4096x1000xf32, #tpu.memory_space<hbm>> -> memref<32x1000xf32, #tpu.memory_space<hbm>>
    tpu.enqueue_dma source(%arg10 : memref<32x1000xf32, #tpu.memory_space<vmem>>) target(%dma_start3A_733 : memref<32x1000xf32, #tpu.memory_space<hbm>>) target_semaphore(%arg15 : memref<!tpu.dma_semaphore, #tpu.memory_space<semaphore_mem>>)
    %dma_wait3A_734 = arith.constant 0 : i32
    %dma_wait3A_735 = tpu.memref_slice %arg9[%add3A_729, %dma_wait3A_734] : memref<4096x1000xf32, #tpu.memory_space<hbm>> -> memref<32x1000xf32, #tpu.memory_space<hbm>>
    %dma_wait3A_736 = arith.constant 0 : i32
    %dma_wait3A_737 = tpu.memref_slice %arg9[%add3A_729, %dma_wait3A_736] : memref<4096x1000xf32, #tpu.memory_space<hbm>> -> memref<32x1000xf32, #tpu.memory_space<hbm>>
    tpu.wait_dma2 semaphore(%arg15 : memref<!tpu.dma_semaphore, #tpu.memory_space<semaphore_mem>>) src(%arg10 : memref<32x1000xf32, #tpu.memory_space<vmem>>) dst(%dma_wait3A_737 : memref<32x1000xf32, #tpu.memory_space<hbm>>)
    %dma_wait3A_738 = arith.constant 0 : i32
    %dma_wait3A_739 = tpu.memref_slice %arg9[%add3A_641, %dma_wait3A_738] : memref<4096x1000xf32, #tpu.memory_space<hbm>> -> memref<32x1000xf32, #tpu.memory_space<hbm>>
    %dma_wait3A_740 = arith.constant 0 : i32
    %dma_wait3A_741 = tpu.memref_slice %arg9[%add3A_641, %dma_wait3A_740] : memref<4096x1000xf32, #tpu.memory_space<hbm>> -> memref<32x1000xf32, #tpu.memory_space<hbm>>
    tpu.wait_dma2 semaphore(%arg16 : memref<!tpu.dma_semaphore, #tpu.memory_space<semaphore_mem>>) src(%arg11 : memref<32x1000xf32, #tpu.memory_space<vmem>>) dst(%dma_wait3A_741 : memref<32x1000xf32, #tpu.memory_space<hbm>>)
    %dma_wait3A_742 = arith.constant 0 : i32
    %dma_wait3A_743 = tpu.memref_slice %arg9[%add3A_685, %dma_wait3A_742] : memref<4096x1000xf32, #tpu.memory_space<hbm>> -> memref<32x1000xf32, #tpu.memory_space<hbm>>
    %dma_wait3A_744 = arith.constant 0 : i32
    %dma_wait3A_745 = tpu.memref_slice %arg9[%add3A_685, %dma_wait3A_744] : memref<4096x1000xf32, #tpu.memory_space<hbm>> -> memref<32x1000xf32, #tpu.memory_space<hbm>>
    tpu.wait_dma2 semaphore(%arg17 : memref<!tpu.dma_semaphore, #tpu.memory_space<semaphore_mem>>) src(%arg12 : memref<32x1000xf32, #tpu.memory_space<vmem>>) dst(%dma_wait3A_745 : memref<32x1000xf32, #tpu.memory_space<hbm>>)
    return
  }
}

module attributes {stable_mosaic.version = 14 : i64} {
  func.func @body(%arg0: i32, %arg1: memref<256x22xi32, #tpu.memory_space<vmem>>, %arg2: memref<256x1000xf32, #tpu.memory_space<vmem>>, %arg3: memref<256x1000xf32, #tpu.memory_space<vmem>>, %arg4: memref<256x1000xf32, #tpu.memory_space<vmem>>, %arg5: memref<256x1000xf32, #tpu.memory_space<vmem>>, %arg6: memref<256x1000xf32, #tpu.memory_space<vmem>>, %arg7: memref<256x1000xf32, #tpu.memory_space<vmem>>, %arg8: memref<256x1000xf32, #tpu.memory_space<vmem>>, %arg9: memref<256x1000xf32, #tpu.memory_space<vmem>>, %arg10: memref<256x1000xf32, #tpu.memory_space<vmem>>, %arg11: memref<256x1000xf32, #tpu.memory_space<vmem>>, %arg12: memref<256x1000xf32, #tpu.memory_space<vmem>>, %arg13: memref<256x1000xf32, #tpu.memory_space<vmem>>, %arg14: memref<256x1000xf32, #tpu.memory_space<vmem>>, %arg15: memref<256x1000xf32, #tpu.memory_space<vmem>>, %arg16: memref<256x1000xf32, #tpu.memory_space<vmem>>, %arg17: memref<256x1000xf32, #tpu.memory_space<vmem>>, %arg18: memref<256x1000xf32, #tpu.memory_space<vmem>>, %arg19: memref<256x1000xf32, #tpu.memory_space<vmem>>, %arg20: memref<256x1000xf32, #tpu.memory_space<vmem>>, %arg21: memref<256x1000xf32, #tpu.memory_space<vmem>>, %arg22: memref<256x1000xf32, #tpu.memory_space<vmem>>, %arg23: memref<256x1000xf32, #tpu.memory_space<vmem>>) attributes {dimension_semantics = [#tpu.dimension_semantics<arbitrary>], iteration_bounds = array<i64: 16>, scalar_prefetch = 0 : i64, scratch_operands = 0 : i64, tpu.core_type = #tpu.core_type<tc>, window_params = [{transform_indices = @transform_0, window_bounds = array<i64: 256, 22>}, {transform_indices = @transform_1, window_bounds = array<i64: 256, 1000>}, {transform_indices = @transform_2, window_bounds = array<i64: 256, 1000>}, {transform_indices = @transform_3, window_bounds = array<i64: 256, 1000>}, {transform_indices = @transform_4, window_bounds = array<i64: 256, 1000>}, {transform_indices = @transform_5, window_bounds = array<i64: 256, 1000>}, {transform_indices = @transform_6, window_bounds = array<i64: 256, 1000>}, {transform_indices = @transform_7, window_bounds = array<i64: 256, 1000>}, {transform_indices = @transform_8, window_bounds = array<i64: 256, 1000>}, {transform_indices = @transform_9, window_bounds = array<i64: 256, 1000>}, {transform_indices = @transform_10, window_bounds = array<i64: 256, 1000>}, {transform_indices = @transform_11, window_bounds = array<i64: 256, 1000>}, {transform_indices = @transform_12, window_bounds = array<i64: 256, 1000>}, {transform_indices = @transform_13, window_bounds = array<i64: 256, 1000>}, {transform_indices = @transform_14, window_bounds = array<i64: 256, 1000>}, {transform_indices = @transform_15, window_bounds = array<i64: 256, 1000>}, {transform_indices = @transform_16, window_bounds = array<i64: 256, 1000>}, {transform_indices = @transform_17, window_bounds = array<i64: 256, 1000>}, {transform_indices = @transform_18, window_bounds = array<i64: 256, 1000>}, {transform_indices = @transform_19, window_bounds = array<i64: 256, 1000>}, {transform_indices = @transform_20, window_bounds = array<i64: 256, 1000>}, {transform_indices = @transform_21, window_bounds = array<i64: 256, 1000>}, {transform_indices = @transform_22, window_bounds = array<i64: 256, 1000>}]} {
    %iota3A = tpu.iota {dimensions = array<i32: 1>} : vector<256x1000xi32>
    %get3A = arith.constant 0 : index
    %get3A_0 = arith.constant 0 : index
    %get3A_1 = vector.load %arg1[%get3A, %get3A_0] : memref<256x22xi32, #tpu.memory_space<vmem>>, vector<256x22xi32>
    %slice3A = vector.extract_strided_slice %get3A_1 {offsets = [0, 0], sizes = [256, 1], strides = [1, 1]} : vector<256x22xi32> to vector<256x1xi32>
    %eq3A = vector.broadcast %slice3A : vector<256x1xi32> to vector<256x1000xi32>
    %eq3A_2 = arith.cmpi eq, %iota3A, %eq3A : vector<256x1000xi32>
    %convert_element_type3A = arith.extui %eq3A_2 : vector<256x1000xi1> to vector<256x1000xi32>
    %convert_element_type3A_3 = arith.sitofp %convert_element_type3A : vector<256x1000xi32> to vector<256x1000xf32>
    %swap3A = arith.constant 0 : index
    %swap3A_4 = arith.constant 0 : index
    %swap3A_5 = vector.load %arg2[%swap3A, %swap3A_4] : memref<256x1000xf32, #tpu.memory_space<vmem>>, vector<256x1000xf32>
    tpu.vector_store %arg2[%swap3A, %swap3A_4], %convert_element_type3A_3 {strides = array<i32>} : memref<256x1000xf32, #tpu.memory_space<vmem>>, vector<256x1000xf32>,
    %slice3A_6 = vector.extract_strided_slice %get3A_1 {offsets = [0, 1], sizes = [256, 1], strides = [1, 1]} : vector<256x22xi32> to vector<256x1xi32>
    %eq3A_7 = vector.broadcast %slice3A_6 : vector<256x1xi32> to vector<256x1000xi32>
    %eq3A_8 = arith.cmpi eq, %iota3A, %eq3A_7 : vector<256x1000xi32>
    %convert_element_type3A_9 = arith.extui %eq3A_8 : vector<256x1000xi1> to vector<256x1000xi32>
    %convert_element_type3A_10 = arith.sitofp %convert_element_type3A_9 : vector<256x1000xi32> to vector<256x1000xf32>
    %swap3A_11 = arith.constant 0 : index
    %swap3A_12 = arith.constant 0 : index
    %swap3A_13 = vector.load %arg3[%swap3A_11, %swap3A_12] : memref<256x1000xf32, #tpu.memory_space<vmem>>, vector<256x1000xf32>
    tpu.vector_store %arg3[%swap3A_11, %swap3A_12], %convert_element_type3A_10 {strides = array<i32>} : memref<256x1000xf32, #tpu.memory_space<vmem>>, vector<256x1000xf32>,
    %slice3A_14 = vector.extract_strided_slice %get3A_1 {offsets = [0, 2], sizes = [256, 1], strides = [1, 1]} : vector<256x22xi32> to vector<256x1xi32>
    %eq3A_15 = vector.broadcast %slice3A_14 : vector<256x1xi32> to vector<256x1000xi32>
    %eq3A_16 = arith.cmpi eq, %iota3A, %eq3A_15 : vector<256x1000xi32>
    %convert_element_type3A_17 = arith.extui %eq3A_16 : vector<256x1000xi1> to vector<256x1000xi32>
    %convert_element_type3A_18 = arith.sitofp %convert_element_type3A_17 : vector<256x1000xi32> to vector<256x1000xf32>
    %swap3A_19 = arith.constant 0 : index
    %swap3A_20 = arith.constant 0 : index
    %swap3A_21 = vector.load %arg4[%swap3A_19, %swap3A_20] : memref<256x1000xf32, #tpu.memory_space<vmem>>, vector<256x1000xf32>
    tpu.vector_store %arg4[%swap3A_19, %swap3A_20], %convert_element_type3A_18 {strides = array<i32>} : memref<256x1000xf32, #tpu.memory_space<vmem>>, vector<256x1000xf32>,
    %slice3A_22 = vector.extract_strided_slice %get3A_1 {offsets = [0, 3], sizes = [256, 1], strides = [1, 1]} : vector<256x22xi32> to vector<256x1xi32>
    %eq3A_23 = vector.broadcast %slice3A_22 : vector<256x1xi32> to vector<256x1000xi32>
    %eq3A_24 = arith.cmpi eq, %iota3A, %eq3A_23 : vector<256x1000xi32>
    %convert_element_type3A_25 = arith.extui %eq3A_24 : vector<256x1000xi1> to vector<256x1000xi32>
    %convert_element_type3A_26 = arith.sitofp %convert_element_type3A_25 : vector<256x1000xi32> to vector<256x1000xf32>
    %swap3A_27 = arith.constant 0 : index
    %swap3A_28 = arith.constant 0 : index
    %swap3A_29 = vector.load %arg5[%swap3A_27, %swap3A_28] : memref<256x1000xf32, #tpu.memory_space<vmem>>, vector<256x1000xf32>
    tpu.vector_store %arg5[%swap3A_27, %swap3A_28], %convert_element_type3A_26 {strides = array<i32>} : memref<256x1000xf32, #tpu.memory_space<vmem>>, vector<256x1000xf32>,
    %slice3A_30 = vector.extract_strided_slice %get3A_1 {offsets = [0, 4], sizes = [256, 1], strides = [1, 1]} : vector<256x22xi32> to vector<256x1xi32>
    %eq3A_31 = vector.broadcast %slice3A_30 : vector<256x1xi32> to vector<256x1000xi32>
    %eq3A_32 = arith.cmpi eq, %iota3A, %eq3A_31 : vector<256x1000xi32>
    %convert_element_type3A_33 = arith.extui %eq3A_32 : vector<256x1000xi1> to vector<256x1000xi32>
    %convert_element_type3A_34 = arith.sitofp %convert_element_type3A_33 : vector<256x1000xi32> to vector<256x1000xf32>
    %swap3A_35 = arith.constant 0 : index
    %swap3A_36 = arith.constant 0 : index
    %swap3A_37 = vector.load %arg6[%swap3A_35, %swap3A_36] : memref<256x1000xf32, #tpu.memory_space<vmem>>, vector<256x1000xf32>
    tpu.vector_store %arg6[%swap3A_35, %swap3A_36], %convert_element_type3A_34 {strides = array<i32>} : memref<256x1000xf32, #tpu.memory_space<vmem>>, vector<256x1000xf32>,
    %slice3A_38 = vector.extract_strided_slice %get3A_1 {offsets = [0, 5], sizes = [256, 1], strides = [1, 1]} : vector<256x22xi32> to vector<256x1xi32>
    %eq3A_39 = vector.broadcast %slice3A_38 : vector<256x1xi32> to vector<256x1000xi32>
    %eq3A_40 = arith.cmpi eq, %iota3A, %eq3A_39 : vector<256x1000xi32>
    %convert_element_type3A_41 = arith.extui %eq3A_40 : vector<256x1000xi1> to vector<256x1000xi32>
    %convert_element_type3A_42 = arith.sitofp %convert_element_type3A_41 : vector<256x1000xi32> to vector<256x1000xf32>
    %swap3A_43 = arith.constant 0 : index
    %swap3A_44 = arith.constant 0 : index
    %swap3A_45 = vector.load %arg7[%swap3A_43, %swap3A_44] : memref<256x1000xf32, #tpu.memory_space<vmem>>, vector<256x1000xf32>
    tpu.vector_store %arg7[%swap3A_43, %swap3A_44], %convert_element_type3A_42 {strides = array<i32>} : memref<256x1000xf32, #tpu.memory_space<vmem>>, vector<256x1000xf32>,
    %slice3A_46 = vector.extract_strided_slice %get3A_1 {offsets = [0, 6], sizes = [256, 1], strides = [1, 1]} : vector<256x22xi32> to vector<256x1xi32>
    %eq3A_47 = vector.broadcast %slice3A_46 : vector<256x1xi32> to vector<256x1000xi32>
    %eq3A_48 = arith.cmpi eq, %iota3A, %eq3A_47 : vector<256x1000xi32>
    %convert_element_type3A_49 = arith.extui %eq3A_48 : vector<256x1000xi1> to vector<256x1000xi32>
    %convert_element_type3A_50 = arith.sitofp %convert_element_type3A_49 : vector<256x1000xi32> to vector<256x1000xf32>
    %swap3A_51 = arith.constant 0 : index
    %swap3A_52 = arith.constant 0 : index
    %swap3A_53 = vector.load %arg8[%swap3A_51, %swap3A_52] : memref<256x1000xf32, #tpu.memory_space<vmem>>, vector<256x1000xf32>
    tpu.vector_store %arg8[%swap3A_51, %swap3A_52], %convert_element_type3A_50 {strides = array<i32>} : memref<256x1000xf32, #tpu.memory_space<vmem>>, vector<256x1000xf32>,
    %slice3A_54 = vector.extract_strided_slice %get3A_1 {offsets = [0, 7], sizes = [256, 1], strides = [1, 1]} : vector<256x22xi32> to vector<256x1xi32>
    %eq3A_55 = vector.broadcast %slice3A_54 : vector<256x1xi32> to vector<256x1000xi32>
    %eq3A_56 = arith.cmpi eq, %iota3A, %eq3A_55 : vector<256x1000xi32>
    %convert_element_type3A_57 = arith.extui %eq3A_56 : vector<256x1000xi1> to vector<256x1000xi32>
    %convert_element_type3A_58 = arith.sitofp %convert_element_type3A_57 : vector<256x1000xi32> to vector<256x1000xf32>
    %swap3A_59 = arith.constant 0 : index
    %swap3A_60 = arith.constant 0 : index
    %swap3A_61 = vector.load %arg9[%swap3A_59, %swap3A_60] : memref<256x1000xf32, #tpu.memory_space<vmem>>, vector<256x1000xf32>
    tpu.vector_store %arg9[%swap3A_59, %swap3A_60], %convert_element_type3A_58 {strides = array<i32>} : memref<256x1000xf32, #tpu.memory_space<vmem>>, vector<256x1000xf32>,
    %slice3A_62 = vector.extract_strided_slice %get3A_1 {offsets = [0, 8], sizes = [256, 1], strides = [1, 1]} : vector<256x22xi32> to vector<256x1xi32>
    %eq3A_63 = vector.broadcast %slice3A_62 : vector<256x1xi32> to vector<256x1000xi32>
    %eq3A_64 = arith.cmpi eq, %iota3A, %eq3A_63 : vector<256x1000xi32>
    %convert_element_type3A_65 = arith.extui %eq3A_64 : vector<256x1000xi1> to vector<256x1000xi32>
    %convert_element_type3A_66 = arith.sitofp %convert_element_type3A_65 : vector<256x1000xi32> to vector<256x1000xf32>
    %swap3A_67 = arith.constant 0 : index
    %swap3A_68 = arith.constant 0 : index
    %swap3A_69 = vector.load %arg10[%swap3A_67, %swap3A_68] : memref<256x1000xf32, #tpu.memory_space<vmem>>, vector<256x1000xf32>
    tpu.vector_store %arg10[%swap3A_67, %swap3A_68], %convert_element_type3A_66 {strides = array<i32>} : memref<256x1000xf32, #tpu.memory_space<vmem>>, vector<256x1000xf32>,
    %slice3A_70 = vector.extract_strided_slice %get3A_1 {offsets = [0, 9], sizes = [256, 1], strides = [1, 1]} : vector<256x22xi32> to vector<256x1xi32>
    %eq3A_71 = vector.broadcast %slice3A_70 : vector<256x1xi32> to vector<256x1000xi32>
    %eq3A_72 = arith.cmpi eq, %iota3A, %eq3A_71 : vector<256x1000xi32>
    %convert_element_type3A_73 = arith.extui %eq3A_72 : vector<256x1000xi1> to vector<256x1000xi32>
    %convert_element_type3A_74 = arith.sitofp %convert_element_type3A_73 : vector<256x1000xi32> to vector<256x1000xf32>
    %swap3A_75 = arith.constant 0 : index
    %swap3A_76 = arith.constant 0 : index
    %swap3A_77 = vector.load %arg11[%swap3A_75, %swap3A_76] : memref<256x1000xf32, #tpu.memory_space<vmem>>, vector<256x1000xf32>
    tpu.vector_store %arg11[%swap3A_75, %swap3A_76], %convert_element_type3A_74 {strides = array<i32>} : memref<256x1000xf32, #tpu.memory_space<vmem>>, vector<256x1000xf32>,
    %slice3A_78 = vector.extract_strided_slice %get3A_1 {offsets = [0, 10], sizes = [256, 1], strides = [1, 1]} : vector<256x22xi32> to vector<256x1xi32>
    %eq3A_79 = vector.broadcast %slice3A_78 : vector<256x1xi32> to vector<256x1000xi32>
    %eq3A_80 = arith.cmpi eq, %iota3A, %eq3A_79 : vector<256x1000xi32>
    %convert_element_type3A_81 = arith.extui %eq3A_80 : vector<256x1000xi1> to vector<256x1000xi32>
    %convert_element_type3A_82 = arith.sitofp %convert_element_type3A_81 : vector<256x1000xi32> to vector<256x1000xf32>
    %swap3A_83 = arith.constant 0 : index
    %swap3A_84 = arith.constant 0 : index
    %swap3A_85 = vector.load %arg12[%swap3A_83, %swap3A_84] : memref<256x1000xf32, #tpu.memory_space<vmem>>, vector<256x1000xf32>
    tpu.vector_store %arg12[%swap3A_83, %swap3A_84], %convert_element_type3A_82 {strides = array<i32>} : memref<256x1000xf32, #tpu.memory_space<vmem>>, vector<256x1000xf32>,
    %slice3A_86 = vector.extract_strided_slice %get3A_1 {offsets = [0, 11], sizes = [256, 1], strides = [1, 1]} : vector<256x22xi32> to vector<256x1xi32>
    %eq3A_87 = vector.broadcast %slice3A_86 : vector<256x1xi32> to vector<256x1000xi32>
    %eq3A_88 = arith.cmpi eq, %iota3A, %eq3A_87 : vector<256x1000xi32>
    %convert_element_type3A_89 = arith.extui %eq3A_88 : vector<256x1000xi1> to vector<256x1000xi32>
    %convert_element_type3A_90 = arith.sitofp %convert_element_type3A_89 : vector<256x1000xi32> to vector<256x1000xf32>
    %swap3A_91 = arith.constant 0 : index
    %swap3A_92 = arith.constant 0 : index
    %swap3A_93 = vector.load %arg13[%swap3A_91, %swap3A_92] : memref<256x1000xf32, #tpu.memory_space<vmem>>, vector<256x1000xf32>
    tpu.vector_store %arg13[%swap3A_91, %swap3A_92], %convert_element_type3A_90 {strides = array<i32>} : memref<256x1000xf32, #tpu.memory_space<vmem>>, vector<256x1000xf32>,
    %slice3A_94 = vector.extract_strided_slice %get3A_1 {offsets = [0, 12], sizes = [256, 1], strides = [1, 1]} : vector<256x22xi32> to vector<256x1xi32>
    %eq3A_95 = vector.broadcast %slice3A_94 : vector<256x1xi32> to vector<256x1000xi32>
    %eq3A_96 = arith.cmpi eq, %iota3A, %eq3A_95 : vector<256x1000xi32>
    %convert_element_type3A_97 = arith.extui %eq3A_96 : vector<256x1000xi1> to vector<256x1000xi32>
    %convert_element_type3A_98 = arith.sitofp %convert_element_type3A_97 : vector<256x1000xi32> to vector<256x1000xf32>
    %swap3A_99 = arith.constant 0 : index
    %swap3A_100 = arith.constant 0 : index
    %swap3A_101 = vector.load %arg14[%swap3A_99, %swap3A_100] : memref<256x1000xf32, #tpu.memory_space<vmem>>, vector<256x1000xf32>
    tpu.vector_store %arg14[%swap3A_99, %swap3A_100], %convert_element_type3A_98 {strides = array<i32>} : memref<256x1000xf32, #tpu.memory_space<vmem>>, vector<256x1000xf32>,
    %slice3A_102 = vector.extract_strided_slice %get3A_1 {offsets = [0, 13], sizes = [256, 1], strides = [1, 1]} : vector<256x22xi32> to vector<256x1xi32>
    %eq3A_103 = vector.broadcast %slice3A_102 : vector<256x1xi32> to vector<256x1000xi32>
    %eq3A_104 = arith.cmpi eq, %iota3A, %eq3A_103 : vector<256x1000xi32>
    %convert_element_type3A_105 = arith.extui %eq3A_104 : vector<256x1000xi1> to vector<256x1000xi32>
    %convert_element_type3A_106 = arith.sitofp %convert_element_type3A_105 : vector<256x1000xi32> to vector<256x1000xf32>
    %swap3A_107 = arith.constant 0 : index
    %swap3A_108 = arith.constant 0 : index
    %swap3A_109 = vector.load %arg15[%swap3A_107, %swap3A_108] : memref<256x1000xf32, #tpu.memory_space<vmem>>, vector<256x1000xf32>
    tpu.vector_store %arg15[%swap3A_107, %swap3A_108], %convert_element_type3A_106 {strides = array<i32>} : memref<256x1000xf32, #tpu.memory_space<vmem>>, vector<256x1000xf32>,
    %slice3A_110 = vector.extract_strided_slice %get3A_1 {offsets = [0, 14], sizes = [256, 1], strides = [1, 1]} : vector<256x22xi32> to vector<256x1xi32>
    %eq3A_111 = vector.broadcast %slice3A_110 : vector<256x1xi32> to vector<256x1000xi32>
    %eq3A_112 = arith.cmpi eq, %iota3A, %eq3A_111 : vector<256x1000xi32>
    %convert_element_type3A_113 = arith.extui %eq3A_112 : vector<256x1000xi1> to vector<256x1000xi32>
    %convert_element_type3A_114 = arith.sitofp %convert_element_type3A_113 : vector<256x1000xi32> to vector<256x1000xf32>
    %swap3A_115 = arith.constant 0 : index
    %swap3A_116 = arith.constant 0 : index
    %swap3A_117 = vector.load %arg16[%swap3A_115, %swap3A_116] : memref<256x1000xf32, #tpu.memory_space<vmem>>, vector<256x1000xf32>
    tpu.vector_store %arg16[%swap3A_115, %swap3A_116], %convert_element_type3A_114 {strides = array<i32>} : memref<256x1000xf32, #tpu.memory_space<vmem>>, vector<256x1000xf32>,
    %slice3A_118 = vector.extract_strided_slice %get3A_1 {offsets = [0, 15], sizes = [256, 1], strides = [1, 1]} : vector<256x22xi32> to vector<256x1xi32>
    %eq3A_119 = vector.broadcast %slice3A_118 : vector<256x1xi32> to vector<256x1000xi32>
    %eq3A_120 = arith.cmpi eq, %iota3A, %eq3A_119 : vector<256x1000xi32>
    %convert_element_type3A_121 = arith.extui %eq3A_120 : vector<256x1000xi1> to vector<256x1000xi32>
    %convert_element_type3A_122 = arith.sitofp %convert_element_type3A_121 : vector<256x1000xi32> to vector<256x1000xf32>
    %swap3A_123 = arith.constant 0 : index
    %swap3A_124 = arith.constant 0 : index
    %swap3A_125 = vector.load %arg17[%swap3A_123, %swap3A_124] : memref<256x1000xf32, #tpu.memory_space<vmem>>, vector<256x1000xf32>
    tpu.vector_store %arg17[%swap3A_123, %swap3A_124], %convert_element_type3A_122 {strides = array<i32>} : memref<256x1000xf32, #tpu.memory_space<vmem>>, vector<256x1000xf32>,
    %slice3A_126 = vector.extract_strided_slice %get3A_1 {offsets = [0, 16], sizes = [256, 1], strides = [1, 1]} : vector<256x22xi32> to vector<256x1xi32>
    %eq3A_127 = vector.broadcast %slice3A_126 : vector<256x1xi32> to vector<256x1000xi32>
    %eq3A_128 = arith.cmpi eq, %iota3A, %eq3A_127 : vector<256x1000xi32>
    %convert_element_type3A_129 = arith.extui %eq3A_128 : vector<256x1000xi1> to vector<256x1000xi32>
    %convert_element_type3A_130 = arith.sitofp %convert_element_type3A_129 : vector<256x1000xi32> to vector<256x1000xf32>
    %swap3A_131 = arith.constant 0 : index
    %swap3A_132 = arith.constant 0 : index
    %swap3A_133 = vector.load %arg18[%swap3A_131, %swap3A_132] : memref<256x1000xf32, #tpu.memory_space<vmem>>, vector<256x1000xf32>
    tpu.vector_store %arg18[%swap3A_131, %swap3A_132], %convert_element_type3A_130 {strides = array<i32>} : memref<256x1000xf32, #tpu.memory_space<vmem>>, vector<256x1000xf32>,
    %slice3A_134 = vector.extract_strided_slice %get3A_1 {offsets = [0, 17], sizes = [256, 1], strides = [1, 1]} : vector<256x22xi32> to vector<256x1xi32>
    %eq3A_135 = vector.broadcast %slice3A_134 : vector<256x1xi32> to vector<256x1000xi32>
    %eq3A_136 = arith.cmpi eq, %iota3A, %eq3A_135 : vector<256x1000xi32>
    %convert_element_type3A_137 = arith.extui %eq3A_136 : vector<256x1000xi1> to vector<256x1000xi32>
    %convert_element_type3A_138 = arith.sitofp %convert_element_type3A_137 : vector<256x1000xi32> to vector<256x1000xf32>
    %swap3A_139 = arith.constant 0 : index
    %swap3A_140 = arith.constant 0 : index
    %swap3A_141 = vector.load %arg19[%swap3A_139, %swap3A_140] : memref<256x1000xf32, #tpu.memory_space<vmem>>, vector<256x1000xf32>
    tpu.vector_store %arg19[%swap3A_139, %swap3A_140], %convert_element_type3A_138 {strides = array<i32>} : memref<256x1000xf32, #tpu.memory_space<vmem>>, vector<256x1000xf32>,
    %slice3A_142 = vector.extract_strided_slice %get3A_1 {offsets = [0, 18], sizes = [256, 1], strides = [1, 1]} : vector<256x22xi32> to vector<256x1xi32>
    %eq3A_143 = vector.broadcast %slice3A_142 : vector<256x1xi32> to vector<256x1000xi32>
    %eq3A_144 = arith.cmpi eq, %iota3A, %eq3A_143 : vector<256x1000xi32>
    %convert_element_type3A_145 = arith.extui %eq3A_144 : vector<256x1000xi1> to vector<256x1000xi32>
    %convert_element_type3A_146 = arith.sitofp %convert_element_type3A_145 : vector<256x1000xi32> to vector<256x1000xf32>
    %swap3A_147 = arith.constant 0 : index
    %swap3A_148 = arith.constant 0 : index
    %swap3A_149 = vector.load %arg20[%swap3A_147, %swap3A_148] : memref<256x1000xf32, #tpu.memory_space<vmem>>, vector<256x1000xf32>
    tpu.vector_store %arg20[%swap3A_147, %swap3A_148], %convert_element_type3A_146 {strides = array<i32>} : memref<256x1000xf32, #tpu.memory_space<vmem>>, vector<256x1000xf32>,
    %slice3A_150 = vector.extract_strided_slice %get3A_1 {offsets = [0, 19], sizes = [256, 1], strides = [1, 1]} : vector<256x22xi32> to vector<256x1xi32>
    %eq3A_151 = vector.broadcast %slice3A_150 : vector<256x1xi32> to vector<256x1000xi32>
    %eq3A_152 = arith.cmpi eq, %iota3A, %eq3A_151 : vector<256x1000xi32>
    %convert_element_type3A_153 = arith.extui %eq3A_152 : vector<256x1000xi1> to vector<256x1000xi32>
    %convert_element_type3A_154 = arith.sitofp %convert_element_type3A_153 : vector<256x1000xi32> to vector<256x1000xf32>
    %swap3A_155 = arith.constant 0 : index
    %swap3A_156 = arith.constant 0 : index
    %swap3A_157 = vector.load %arg21[%swap3A_155, %swap3A_156] : memref<256x1000xf32, #tpu.memory_space<vmem>>, vector<256x1000xf32>
    tpu.vector_store %arg21[%swap3A_155, %swap3A_156], %convert_element_type3A_154 {strides = array<i32>} : memref<256x1000xf32, #tpu.memory_space<vmem>>, vector<256x1000xf32>,
    %slice3A_158 = vector.extract_strided_slice %get3A_1 {offsets = [0, 20], sizes = [256, 1], strides = [1, 1]} : vector<256x22xi32> to vector<256x1xi32>
    %eq3A_159 = vector.broadcast %slice3A_158 : vector<256x1xi32> to vector<256x1000xi32>
    %eq3A_160 = arith.cmpi eq, %iota3A, %eq3A_159 : vector<256x1000xi32>
    %convert_element_type3A_161 = arith.extui %eq3A_160 : vector<256x1000xi1> to vector<256x1000xi32>
    %convert_element_type3A_162 = arith.sitofp %convert_element_type3A_161 : vector<256x1000xi32> to vector<256x1000xf32>
    %swap3A_163 = arith.constant 0 : index
    %swap3A_164 = arith.constant 0 : index
    %swap3A_165 = vector.load %arg22[%swap3A_163, %swap3A_164] : memref<256x1000xf32, #tpu.memory_space<vmem>>, vector<256x1000xf32>
    tpu.vector_store %arg22[%swap3A_163, %swap3A_164], %convert_element_type3A_162 {strides = array<i32>} : memref<256x1000xf32, #tpu.memory_space<vmem>>, vector<256x1000xf32>,
    %slice3A_166 = vector.extract_strided_slice %get3A_1 {offsets = [0, 21], sizes = [256, 1], strides = [1, 1]} : vector<256x22xi32> to vector<256x1xi32>
    %eq3A_167 = vector.broadcast %slice3A_166 : vector<256x1xi32> to vector<256x1000xi32>
    %eq3A_168 = arith.cmpi eq, %iota3A, %eq3A_167 : vector<256x1000xi32>
    %convert_element_type3A_169 = arith.extui %eq3A_168 : vector<256x1000xi1> to vector<256x1000xi32>
    %convert_element_type3A_170 = arith.sitofp %convert_element_type3A_169 : vector<256x1000xi32> to vector<256x1000xf32>
    %swap3A_171 = arith.constant 0 : index
    %swap3A_172 = arith.constant 0 : index
    %swap3A_173 = vector.load %arg23[%swap3A_171, %swap3A_172] : memref<256x1000xf32, #tpu.memory_space<vmem>>, vector<256x1000xf32>
    tpu.vector_store %arg23[%swap3A_171, %swap3A_172], %convert_element_type3A_170 {strides = array<i32>} : memref<256x1000xf32, #tpu.memory_space<vmem>>, vector<256x1000xf32>,
    return
  }
  func.func @transform_0(%arg0: i32) -> (i32, i32) {
    %c0_i32 = arith.constant 0 : i32
    %c0_i32_0 = arith.constant 0 : i32
    return %arg0, %c0_i32 : i32, i32
  }
  func.func @transform_1(%arg0: i32) -> (i32, i32) {
    %c0_i32 = arith.constant 0 : i32
    %c0_i32_0 = arith.constant 0 : i32
    return %arg0, %c0_i32 : i32, i32
  }
  func.func @transform_2(%arg0: i32) -> (i32, i32) {
    %c0_i32 = arith.constant 0 : i32
    %c0_i32_0 = arith.constant 0 : i32
    return %arg0, %c0_i32 : i32, i32
  }
  func.func @transform_3(%arg0: i32) -> (i32, i32) {
    %c0_i32 = arith.constant 0 : i32
    %c0_i32_0 = arith.constant 0 : i32
    return %arg0, %c0_i32 : i32, i32
  }
  func.func @transform_4(%arg0: i32) -> (i32, i32) {
    %c0_i32 = arith.constant 0 : i32
    %c0_i32_0 = arith.constant 0 : i32
    return %arg0, %c0_i32 : i32, i32
  }
  func.func @transform_5(%arg0: i32) -> (i32, i32) {
    %c0_i32 = arith.constant 0 : i32
    %c0_i32_0 = arith.constant 0 : i32
    return %arg0, %c0_i32 : i32, i32
  }
  func.func @transform_6(%arg0: i32) -> (i32, i32) {
    %c0_i32 = arith.constant 0 : i32
    %c0_i32_0 = arith.constant 0 : i32
    return %arg0, %c0_i32 : i32, i32
  }
  func.func @transform_7(%arg0: i32) -> (i32, i32) {
    %c0_i32 = arith.constant 0 : i32
    %c0_i32_0 = arith.constant 0 : i32
    return %arg0, %c0_i32 : i32, i32
  }
  func.func @transform_8(%arg0: i32) -> (i32, i32) {
    %c0_i32 = arith.constant 0 : i32
    %c0_i32_0 = arith.constant 0 : i32
    return %arg0, %c0_i32 : i32, i32
  }
  func.func @transform_9(%arg0: i32) -> (i32, i32) {
    %c0_i32 = arith.constant 0 : i32
    %c0_i32_0 = arith.constant 0 : i32
    return %arg0, %c0_i32 : i32, i32
  }
  func.func @transform_10(%arg0: i32) -> (i32, i32) {
    %c0_i32 = arith.constant 0 : i32
    %c0_i32_0 = arith.constant 0 : i32
    return %arg0, %c0_i32 : i32, i32
  }
  func.func @transform_11(%arg0: i32) -> (i32, i32) {
    %c0_i32 = arith.constant 0 : i32
    %c0_i32_0 = arith.constant 0 : i32
    return %arg0, %c0_i32 : i32, i32
  }
  func.func @transform_12(%arg0: i32) -> (i32, i32) {
    %c0_i32 = arith.constant 0 : i32
    %c0_i32_0 = arith.constant 0 : i32
    return %arg0, %c0_i32 : i32, i32
  }
  func.func @transform_13(%arg0: i32) -> (i32, i32) {
    %c0_i32 = arith.constant 0 : i32
    %c0_i32_0 = arith.constant 0 : i32
    return %arg0, %c0_i32 : i32, i32
  }
  func.func @transform_14(%arg0: i32) -> (i32, i32) {
    %c0_i32 = arith.constant 0 : i32
    %c0_i32_0 = arith.constant 0 : i32
    return %arg0, %c0_i32 : i32, i32
  }
  func.func @transform_15(%arg0: i32) -> (i32, i32) {
    %c0_i32 = arith.constant 0 : i32
    %c0_i32_0 = arith.constant 0 : i32
    return %arg0, %c0_i32 : i32, i32
  }
  func.func @transform_16(%arg0: i32) -> (i32, i32) {
    %c0_i32 = arith.constant 0 : i32
    %c0_i32_0 = arith.constant 0 : i32
    return %arg0, %c0_i32 : i32, i32
  }
  func.func @transform_17(%arg0: i32) -> (i32, i32) {
    %c0_i32 = arith.constant 0 : i32
    %c0_i32_0 = arith.constant 0 : i32
    return %arg0, %c0_i32 : i32, i32
  }
  func.func @transform_18(%arg0: i32) -> (i32, i32) {
    %c0_i32 = arith.constant 0 : i32
    %c0_i32_0 = arith.constant 0 : i32
    return %arg0, %c0_i32 : i32, i32
  }
  func.func @transform_19(%arg0: i32) -> (i32, i32) {
    %c0_i32 = arith.constant 0 : i32
    %c0_i32_0 = arith.constant 0 : i32
    return %arg0, %c0_i32 : i32, i32
  }
  func.func @transform_20(%arg0: i32) -> (i32, i32) {
    %c0_i32 = arith.constant 0 : i32
    %c0_i32_0 = arith.constant 0 : i32
    return %arg0, %c0_i32 : i32, i32
  }
  func.func @transform_21(%arg0: i32) -> (i32, i32) {
    %c0_i32 = arith.constant 0 : i32
    %c0_i32_0 = arith.constant 0 : i32
    return %arg0, %c0_i32 : i32, i32
  }
  func.func @transform_22(%arg0: i32) -> (i32, i32) {
    %c0_i32 = arith.constant 0 : i32
    %c0_i32_0 = arith.constant 0 : i32
    return %arg0, %c0_i32 : i32, i32
  }
}

</mosaic_0001>

<sc_bundles>
// kernel: kernel.4.cloned.1.call-start
scs
__scs_entry_jumppad:
0x0: {  	(pc) =	sbr.rel $0x88, $3  }
0x1: {  	(tag) =	ssettag $0x0;
	lr =	simm.s32 $0x1  }
0x2: {  	[smem:$0x3F87] =	sst lr;
	_ =	strace $0xD0000000  }
0x3: {  	_ = 	snop  }
0x4: {  	_ = 	snop  }
0x5: {  	_ = 	snop  }
0x6: {  	_ = 	snop  }
0x7: {  	_ = 	snop  }
__scs_overlays_trampoline_lowered:
0x8: {  	[smem:$0x3F96] =	sst s0  }
0x9: {  	[smem:$0x3F97] =	sst s1  }
0xa: {  	[smem:$0x3F98] =	sst s2  }
0xb: {  	[smem:$0x3F99] =	sst s3  }
0xc: {  	[smem:$0x3F9A] =	sst s4  }
0xd: {  	[smem:$0x3F9B] =	sst s5  }
0xe: {  	[smem:$0x3F9C] =	sst s6  }
0xf: {  	[smem:$0x3F9D] =	sst s7  }
0x10: {  	[smem:$0x3F9E] =	sst s8  }
0x11: {  	[smem:$0x3F9F] =	sst s9;
	s0 =	simm.s32 @!p0 $0x0  }
0x12: {  	s1 =	sld [smem:$0x3F85];
	s0 =	simm.s32 @p0 $0x1  }
0x13: {  	[smem:$0x3FA0] =	sst s0;
	s0 =	simm.s32 @!p1 $0x0  }
0x14: {  	s2 =	sld [smem:$0x3F84];
	s0 =	simm.s32 @p1 $0x1  }
0x15: {  	[smem:$0x3FA1] =	sst s0;
	s0 =	simm.s32 @!p2 $0x0  }
0x16: {  	s3 =	sld [smem:$0x3FDB];
	s0 =	simm.s32 @p2 $0x1  }
0x17: {  	s4 =	simm.s32 $0x1BF5;
	[smem:$0x3FA3] =	sst s0  }
0x18: {  	s0 =	sld [smem:$0x3F86];
	_ =	swait.ge [sflag:s4], $0x0  }
0x19: {  	s7 =	sld [smem:$0x3F87]  }
0x1a: {  	s8 =	sadd.s32 $0xFFFFE003, lr  }
0x1b: {  	s9 =	sadd.s32 $0xFFFFFEF7, lr;
	s5 =	simm.s32 $0xFFFFFFFF;
	p2 =	slt.u32 s8, $0xFFFFF086  }
0x1c: {  	p1 =	slt.u32 s9, $0xF7A;
	s5 =	simm.s32 @!p2 $0x0  }
0x1d: {  	s5 =	simm.s32 @p1 $0x1;
	p0 =	seq.s32 s7, s2  }
0x1e: {  	s7 =	smul.u32 @!p0 $0xF7A, s2;
	p2 =	seq.s32 @!p0 s5, $0x0  }
0x1f: {  	s9 =	smul.u32 $0xF7A, s1;
	s8 =	simm.s32 @!p0 $0x1BF5;
	p2 =	por !p2, p0  }
0x20: {  	[sflag:s8] =	ssyncset.s32 @!p0 $0xFFFFF086;
	s6 =	sadd.s32 @!p0 s3, s7;
	s7 =	simm.s32 @!p0 $0x108  }
0x21: {  	s3 =	sadd.s32 s3, s9;
	s6 =	sadd.s32 @!p0 $0x88, s6;
	s7 =	simm.s32 @p2 $0x1082  }
0x22: {  	[simem:s7], [sflag:s8] =	dma.local @!p0 [hbm:s6], $0xF7A  }
0x23: {  	s9 =	sor.u32 $0xD0000000, s2;
	s6 =	simm.s32 $0x108;
	_ =	swait.ge @!p0 [sflag:s8], $0x0  }
0x24: {  	s3 =	sadd.s32 $0x88, s3;
	s6 =	simm.s32 @!p1 $0x1082;
	[sflag:s4] =	ssyncset.s32 $0xFFFFF086  }
0x25: {  	[simem:s6], [sflag:s4] =	dma.local [hbm:s3], $0xF7A  }
0x26: {  	[smem:$0x3F87] =	sst s1;
	(tag) =	ssettag s2;
	_ =	strace s9  }
0x27: {  	s1 =	sld [smem:$0x3F97]  }
0x28: {  	s2 =	sld [smem:$0x3F98]  }
0x29: {  	s4 =	sld [smem:$0x3F9A]  }
0x2a: {  	p0 =	seq.s32 s5, $0x0;
	s5 =	sld [smem:$0x3F9B]  }
0x2b: {  	s6 =	sld [smem:$0x3F9C]  }
0x2c: {  	s7 =	sld [smem:$0x3F9D]  }
0x2d: {  	s3 =	simm.s32 $0x108;
	s8 =	sld [smem:$0x3F9E]  }
0x2e: {  	s3 =	simm.s32 @!p0 $0x1082;
	s9 =	sld [smem:$0x3F9F]  }
0x2f: {  	lr =	sadd.s32 s0, s3;
	s0 =	sld [smem:$0x3F96]  }
0x30: {  	s3 =	sld [smem:$0x3F99]  }
0x31: {  	[smem:$0x3FA2] =	sst s10  }
0x32: {  	s10 =	sld [smem:$0x3FA0];
	_ =	sdelay $0x3  }
0x33: {  	p0 =	seq.s32 s10, $0x1;
	s10 =	sld [smem:$0x3FA2];
	_ =	sdelay $0x3  }
0x34: {  	[smem:$0x3FA2] =	sst s10  }
0x35: {  	s10 =	sld [smem:$0x3FA1];
	_ =	sdelay $0x3  }
0x36: {  	p1 =	seq.s32 s10, $0x1;
	s10 =	sld [smem:$0x3FA2];
	_ =	sdelay $0x3  }
0x37: {  	[smem:$0x3FA2] =	sst s10  }
0x38: {  	s10 =	sld [smem:$0x3FA3]  }
0x39: {  	_ = 	snop;
	(pc) =	sbr.ind lr, $3  }
0x3a: {  	_ = 	snop  }
0x3b: {  	_ = 	snop  }
0x3c: {  	p2 =	seq.s32 s10, $0x1;
	s10 =	sld [smem:$0x3FA2]  }
0x3d: {  	_ =	shalt  }
0x3e: {  	_ =	shalt  }
0x3f: {  	_ =	shalt  }
0x40: {  	_ =	shalt  }
0x41: {  	_ =	shalt  }
0x42: {  	_ =	shalt  }
0x43: {  	_ =	shalt  }
0x44: {  	_ =	shalt  }
0x45: {  	_ =	shalt  }
0x46: {  	_ =	shalt  }
0x47: {  	_ =	shalt  }
0x48: {  	_ =	shalt  }
0x49: {  	_ =	shalt  }
0x4a: {  	_ =	shalt  }
0x4b: {  	_ =	shalt  }
0x4c: {  	_ =	shalt  }
0x4d: {  	_ =	shalt  }
0x4e: {  	_ =	shalt  }
0x4f: {  	_ =	shalt  }
0x50: {  	_ =	shalt  }
0x51: {  	_ =	shalt  }
0x52: {  	_ =	shalt  }
0x53: {  	_ =	shalt  }
0x54: {  	_ =	shalt  }
0x55: {  	_ =	shalt  }
0x56: {  	_ =	shalt  }
0x57: {  	_ =	shalt  }
0x58: {  	_ =	shalt  }
0x59: {  	_ =	shalt  }
0x5a: {  	_ =	shalt  }
0x5b: {  	_ =	shalt  }
0x5c: {  	_ =	shalt  }
0x5d: {  	_ =	shalt  }
0x5e: {  	_ =	shalt  }
0x5f: {  	_ =	shalt  }
0x60: {  	_ =	shalt  }
0x61: {  	_ =	shalt  }
0x62: {  	_ =	shalt  }
0x63: {  	_ =	shalt  }
0x64: {  	_ =	shalt  }
0x65: {  	_ =	shalt  }
0x66: {  	_ =	shalt  }
0x67: {  	_ =	shalt  }
0x68: {  	_ =	shalt  }
0x69: {  	_ =	shalt  }
0x6a: {  	_ =	shalt  }
0x6b: {  	_ =	shalt  }
0x6c: {  	_ =	shalt  }
0x6d: {  	_ =	shalt  }
0x6e: {  	_ =	shalt  }
0x6f: {  	_ =	shalt  }
0x70: {  	_ =	shalt  }
0x71: {  	_ =	shalt  }
0x72: {  	_ =	shalt  }
0x73: {  	_ =	shalt  }
0x74: {  	_ =	shalt  }
0x75: {  	_ =	shalt  }
0x76: {  	_ =	shalt  }
0x77: {  	_ =	shalt  }
0x78: {  	_ =	shalt  }
0x79: {  	_ =	shalt  }
0x7a: {  	_ =	shalt  }
0x7b: {  	_ =	shalt  }
0x7c: {  	_ =	shalt  }
0x7d: {  	_ =	shalt  }
0x7e: {  	_ =	shalt  }
0x7f: {  	_ =	shalt  }
0x80: {  	_ =	shalt  }
0x81: {  	_ =	shalt  }
0x82: {  	_ =	shalt  }
0x83: {  	_ =	shalt  }
0x84: {  	_ =	shalt  }
0x85: {  	_ =	shalt  }
0x86: {  	_ =	shalt  }
0x87: {  	_ =	shalt  }
.Lfunc_end0:
.L_simem_size_0:
called_computation_lowered:
.L_overlay_start_0:
0x88: {  	s2 =	sld [smem:$0x3FD9]  }
0x89: {  	s3 =	sld [smem:$0x3FFE];
	_ =	sdelay $0x1  }
0x8a: {  	s1 =	srdreg.scid  }
0x8b: {  	s0 =	sand.u32 $0x1, s1  }
0x8c: {  	s13 =	sshll.u32 s0, $0xA;
	s2 =	sadd.s32 s3, s2  }
0x8d: {  	s2 =	sadd.s32 s2, s13  }
0x8e: {  	[smem:$0x3FAE] =	sst s2  }
0x8f: {  	_ = 	snop  }
0x90: {  	s6 =	sld [smem:$0x3FD0]  }
0x91: {  	s2 =	sld [smem:$0x3FB3]  }
0x92: {  	s14 =	sld [smem:$0x3FB2]  }
0x93: {  	s8 =	simm.s32 $0xA;
	s4 =	sld [smem:$0x3FB1]  }
0x94: {  	s9 =	simm.s32 $0x10;
	s5 =	sld [smem:$0x3FB0];
	s7 =	sadd.s32 $0x2, s6  }
0x95: {  	[smem:s9], [sflag:s8] =	dma.local [hbm:s7], $0x1  }
0x96: {  	_ =	swait.eq [sflag:s8], $0x1  }
0x97: {  	[sflag:s8] =	ssyncset.done $0x0  }
0x98: {  	[sflag:s8] =	ssyncadd.s32 $0xFFFFFFFF  }
0x99: {  	s6 =	sadd.s32 $0x3, s6;
	s15 =	sld [smem:$0x17]  }
0x9a: {  	[smem:s9], [sflag:s8] =	dma.local [hbm:s6], $0x1  }
0x9b: {  	_ =	swait.eq [sflag:s8], $0x1  }
0x9c: {  	[sflag:s8] =	ssyncset.done $0x0  }
0x9d: {  	s16 =	sld [smem:$0x10];
	[sflag:s8] =	ssyncadd.s32 $0xFFFFFFFF  }
0x9e: {  	s17 =	sld [smem:$0x11];
	(tm) =	ssettm $0x1  }
0x9f: {  	s18 =	sld [smem:$0x3FFB];
	_ =	sdelay $0x3  }
0xa0: {  	_ =	strace s18  }
0xa1: {  	s9 =	sld [smem:$0x3FFC];
	_ =	sdelay $0x3  }
0xa2: {  	_ =	strace s9  }
0xa3: {  	s9 =	sld [smem:$0x3FFD];
	_ =	sdelay $0x3  }
0xa4: {  	_ =	strace s9  }
0xa5: {  	_ =	strace $0x8FFFFFFF  }
0xa6: {  	s19 =	sld [smem:$0x3FDB];
	_ =	sdelay $0x1  }
0xa7: {  	s10 =	simm.s32 $_scs_section_size  }
0xa8: {  	s11 =	simm.s32 $_size__tile_overlayer_lowered;
	s12 =	simm.s32 $_tile_overlayer_lowered  }
0xa9: {  	s22 =	simm.s32 $0x1BFF;
	s21 =	sshll.u32 s12, $0x1;
	s9 =	sadd.s32 s10, s19  }
0xaa: {  	s20 =	sshll.u32 s11, $0x1;
	s13 =	simm.s32 $0x0;
	s11 =	sadd.s32 s21, s9  }
0xab: {  	[timem:s13], [sflag:s22] =	dma.local [hbm:s11], s20  }
0xac: {  	_ =	swait.ge [sflag:s22], s20  }
0xad: {  	s10 =	ssub.s32 $0x0, s20;
	[sflag:s22] =	ssyncset.done $0x0  }
0xae: {  	[sflag:s22] =	ssyncadd.s32 s10;
	_ =	sdelay $0x1  }
0xaf: {  	s23 =	simm.s32 $0x1B8B  }
0xb0: {  	_ =	swait.ge [sflag:s23], $0x1  }
0xb1: {  	[sflag:s23] =	ssyncset.done $0x0  }
0xb2: {  	s25 =	simm.s32 $0x1B8E;
	s24 =	sld [smem:$0x3FFE];
	[sflag:s23] =	ssyncadd.s32 $0xFFFFFFFF  }
0xb3: {  	s26 =	simm.s32 $execute0_lowered;
	[smem:$0x3FD2] =	sst s25  }
0xb4: {  	s11 =	sshll.u32 s26, $0x1;
	_ =	strace $0x80000046;
	[dreg:$0x1] =	wrdreg $0xFFFFFFFF  }
0xb5: {  	s28 =	simm.s32 $_size_execute0_lowered;
	s9 =	sadd.s32 s9, s11;
	[dreg:$0x0] =	wrdreg $0x0  }
0xb6: {  	s11 =	sshll.u32 s28, $0x1;
	[dreg:$0x2] =	wrdreg s9  }
0xb7: {  	[dreg:$0x3] =	wrdreg s11  }
0xb8: {  	[dreg:$0x4] =	wrdreg $0xC0  }
0xb9: {  	_ =	task [dreg:s13], $0x5FFFF  }
0xba: {  	[dreg:$0x1] =	wrdreg $0xFFFFFFFF  }
0xbb: {  	[dreg:$0x0] =	wrdreg $0x60  }
0xbc: {  	[dreg:$0x2] =	wrdreg s2  }
0xbd: {  	[dreg:$0x3] =	wrdreg s14  }
0xbe: {  	[dreg:$0x4] =	wrdreg s4  }
0xbf: {  	[dreg:$0x5] =	wrdreg s5  }
0xc0: {  	[dreg:$0x6] =	wrdreg s16  }
0xc1: {  	[dreg:$0x7] =	wrdreg s15  }
0xc2: {  	[dreg:$0x8] =	wrdreg s24  }
0xc3: {  	[dreg:$0x9] =	wrdreg s17  }
0xc4: {  	[dreg:$0xa] =	wrdreg $0x9  }
0xc5: {  	_ =	task.clear_ibuf [dreg:s13], $0xBFFFF;
	_ =	strace $0x90000046  }
0xc6: {  	s29 =	simm.s32 $0x9;
	_ =	strace $0x80000048  }
0xc7: {  	_ =	swait.ge [sflag:s29], $0x1  }
0xc8: {  	[sflag:s29] =	ssyncadd.s32 $0xFFFFFFFF  }
0xc9: {  	_ =	strace $0x90000048  }
0xca: {  	_ =	sfence  }
0xcb: {  	s30 =	sld [smem:$0x0];
	_ =	sdelay $0x2  }
0xcc: {  	s31 =	sshll.u32 s1, $0xD;
	s1 =	sshrl.u32 s1, $0x2  }
0xcd: {  	s3 =	sand.u32 $0x4000, s31;
	s1 =	sadd.s32 s1, s30  }
0xce: {  	s0 =	sor.u32 s3, s0;
	s1 =	sshll.u32 s1, $0x11  }
0xcf: {  	s0 =	sor.u32 s1, s0  }
0xd0: {  	s0 =	sadd.s32 $0x8F2B, s0  }
0xd1: {  	[sflag:s0] =	ssyncadd.remote.s32 $0x1  }
0xd2: {  	_ =	sfence.sel $0xFFFF  }
0xd3: {  	[dreg:$0x0] =	wrdreg $0xFFFFFFFF;
	(pc) =	sbr.abs _section_cstart, $3  }
0xd4: {  	[dreg:$0x1] =	wrdreg $0xFFFFFFFF  }
0xd5: {  	_ =	task.clear_ibuf [dreg:s13], $0x2FFFF;
	_ =	strace $0x9FFFFFFF  }
0xd6: {  	(tm) =	ssettm $0x7FFFFFFF  }
0xd7: {  	_ =	shalt  }
tec
execute0_lowered:
.L_overlay_start_1:
0x0: {  	(tag) =	ssettag $0x1  }
0x1: {  	s0 =	rddreg [dreg:$0x0]  }
0x2: {  	s1 =	rddreg [dreg:$0x1]  }
0x3: {  	s5 =	rddreg [dreg:$0x2]  }
0x4: {  	s6 =	rddreg [dreg:$0x3]  }
0x5: {  	s10 =	rddreg [dreg:$0x4]  }
0x6: {  	s14 =	rddreg [dreg:$0x5]  }
0x7: {  	s3 =	rddreg [dreg:$0x6]  }
0x8: {  	s22 =	rddreg [dreg:$0x7]  }
0x9: {  	s4 =	srdreg.scid;
	s2 =	simm.s32 $0x0;
	s7 =	stileid.u32  }
0xa: {  	s29 =	simm.s32 $0x1;
	s30 =	simm.s32 $0x7D00;
	s31 =	simm.s32 $0xFA00  }
0xb: {  	s24 =	simm.s32 $0x4;
	s4 =	sand.u32 $0x1, s4;
	[smem:$0x7FF] =	sst s2  }
0xc: {  	s7 =	sshll.u32 s7, $0x8;
	s8 =	sshll.u32 s4, $0x7;
	s4 =	ssub.s32 $0x2, s4  }
0xd: {  	s18 =	sadd.s32 $0x9200, s3;
	s7 =	sor.u32 s8, s7;
	s25 =	sshrl.u32 s4, $0x1  }
0xe: {  	_ =	strace $0x80000047;
	s19 =	smul.u32 $0x7D, s7;
	s23 =	ssub.s32 s4, s25  }
0xf: {  	s8 =	sshrl.u32 s7, $0x3;
	s9 =	smul.u32 $0x3E8, s7;
	s25 =	simm.s32 $0x0  }
0x10: {  	s3 =	sadd.s32 s0, s8;
	s4 =	sadd.s32 s1, s8;
	s5 =	sadd.s32 s5, s8  }
0x11: {  	s6 =	sadd.s32 s6, s8;
	s23 =	smax.u32 s23, $0x1;
	s1 =	simm.s32 $0x3  }
0x12: {  	s7 =	sadd.s32 s10, s19;
	s26 =	sshrl.u32 s9, $0x3;
	s11 =	sadd.s32 s14, s19  }
0x13: {  	s15 =	sadd.s32 s18, s19;
	s19 =	sadd.s32 s22, s19;
	s28 =	sadd.s32 $0xFA0, s26  }
0x14: {  	s21 =	sadd.s32 $0x1F40, s26;
	s0 =	sadd.s32 $0x2EE0, s26;
	s8 =	sadd.s32 s10, s28  }
0x15: {  	v0 =	vlaneseq.u32;
	s9 =	sadd.s32 s10, s21;
	s10 =	sadd.s32 s10, s0;
	s12 =	sadd.s32 s14, s28  }
0x16: {  	v0 =	vmul.u32 $0x3E8, v0;
	s13 =	sadd.s32 s14, s21;
	s14 =	sadd.s32 s14, s0;
	s16 =	sadd.s32 s18, s28  }
0x17: {  	s17 =	sadd.s32 s18, s21;
	s18 =	sadd.s32 s18, s0;
	s20 =	sadd.s32 s22, s28  }
0x18: {  	v1 =	vimm.f32 $0.0e+00;
	v2 =	vimm.f32 $1.000000000e+00;
	v3 =	vadd.s32 $0x3E80, v0;
	s21 =	sadd.s32 s22, s21;
	s22 =	sadd.s32 s22, s0;
	s0 =	simm.s32 $0x2  }
.LBB2_1:
0x19: {  	s26 =	simm.s32 $0x17700  }
0x1a: {  	[tilespmem:s26], [sflag:$0x1] =	stream.linear.gather [hbm4b:s3+s2], $0x80, $0x38;
	[tilespmem:$0x17900] =	vst v63  }
0x1b: {  	s26 =	simm.s32 $0x17780  }
0x1c: {  	[tilespmem:s26], [sflag:$0x1] =	stream.linear.gather [hbm4b:s4+s2], $0x80, $0x38;
	[tilespmem:$0x17900] =	vst v63  }
0x1d: {  	s26 =	simm.s32 $0x17800  }
0x1e: {  	[tilespmem:s26], [sflag:$0x1] =	stream.linear.gather [hbm4b:s5+s2], $0x80, $0x38;
	[tilespmem:$0x17900] =	vst v63  }
0x1f: {  	s26 =	simm.s32 $0x17880  }
0x20: {  	[tilespmem:s26], [sflag:$0x1] =	stream.linear.gather [hbm4b:s6+s2], $0x80, $0x38;
	[tilespmem:$0x17900] =	vst v63  }
0x21: {  	s26 =	simm.s32 $0x0  }
0x22: {  	s28 =	simm.s32 $0xFA0;
	[tilespmem:s26+$0x3D0] =	vst v1  }
.LBB2_2:
0x23: {  	p0 =	sne.s32 s28, $0x1E460;
	[tilespmem:s26+$0x3D8] =	vst v1  }
0x24: {  	[tilespmem:s26+$0x0] =	vst v1  }
0x25: {  	[tilespmem:s26+$0x10] =	vst v1  }
0x26: {  	[tilespmem:s26+$0x20] =	vst v1  }
0x27: {  	[tilespmem:s26+$0x30] =	vst v1  }
0x28: {  	[tilespmem:s26+$0x40] =	vst v1  }
0x29: {  	[tilespmem:s26+$0x50] =	vst v1  }
0x2a: {  	[tilespmem:s26+$0x60] =	vst v1  }
0x2b: {  	[tilespmem:s26+$0x70] =	vst v1  }
0x2c: {  	[tilespmem:s26+$0x80] =	vst v1  }
0x2d: {  	[tilespmem:s26+$0x90] =	vst v1  }
0x2e: {  	[tilespmem:s26+$0xA0] =	vst v1  }
0x2f: {  	[tilespmem:s26+$0xB0] =	vst v1  }
0x30: {  	[tilespmem:s26+$0xC0] =	vst v1  }
0x31: {  	[tilespmem:s26+$0xD0] =	vst v1  }
0x32: {  	[tilespmem:s26+$0xE0] =	vst v1  }
0x33: {  	[tilespmem:s26+$0xF0] =	vst v1  }
0x34: {  	[tilespmem:s26+$0x100] =	vst v1  }
0x35: {  	[tilespmem:s26+$0x110] =	vst v1  }
0x36: {  	[tilespmem:s26+$0x120] =	vst v1  }
0x37: {  	[tilespmem:s26+$0x130] =	vst v1  }
0x38: {  	[tilespmem:s26+$0x140] =	vst v1  }
0x39: {  	[tilespmem:s26+$0x150] =	vst v1  }
0x3a: {  	[tilespmem:s26+$0x160] =	vst v1  }
0x3b: {  	[tilespmem:s26+$0x170] =	vst v1  }
0x3c: {  	[tilespmem:s26+$0x180] =	vst v1  }
0x3d: {  	[tilespmem:s26+$0x190] =	vst v1  }
0x3e: {  	[tilespmem:s26+$0x1A0] =	vst v1  }
0x3f: {  	[tilespmem:s26+$0x1B0] =	vst v1  }
0x40: {  	[tilespmem:s26+$0x1C0] =	vst v1  }
0x41: {  	[tilespmem:s26+$0x1D0] =	vst v1  }
0x42: {  	[tilespmem:s26+$0x1E0] =	vst v1  }
0x43: {  	[tilespmem:s26+$0x1F0] =	vst v1  }
0x44: {  	[tilespmem:s26+$0x200] =	vst v1  }
0x45: {  	[tilespmem:s26+$0x210] =	vst v1  }
0x46: {  	[tilespmem:s26+$0x220] =	vst v1  }
0x47: {  	[tilespmem:s26+$0x230] =	vst v1  }
0x48: {  	[tilespmem:s26+$0x240] =	vst v1  }
0x49: {  	[tilespmem:s26+$0x250] =	vst v1  }
0x4a: {  	[tilespmem:s26+$0x260] =	vst v1  }
0x4b: {  	[tilespmem:s26+$0x270] =	vst v1  }
0x4c: {  	[tilespmem:s26+$0x280] =	vst v1  }
0x4d: {  	[tilespmem:s26+$0x290] =	vst v1  }
0x4e: {  	[tilespmem:s26+$0x2A0] =	vst v1  }
0x4f: {  	[tilespmem:s26+$0x2B0] =	vst v1  }
0x50: {  	[tilespmem:s26+$0x2C0] =	vst v1  }
0x51: {  	[tilespmem:s26+$0x2D0] =	vst v1  }
0x52: {  	[tilespmem:s26+$0x2E0] =	vst v1  }
0x53: {  	[tilespmem:s26+$0x2F0] =	vst v1  }
0x54: {  	[tilespmem:s26+$0x300] =	vst v1  }
0x55: {  	[tilespmem:s26+$0x310] =	vst v1  }
0x56: {  	[tilespmem:s26+$0x320] =	vst v1  }
0x57: {  	[tilespmem:s26+$0x330] =	vst v1  }
0x58: {  	[tilespmem:s26+$0x340] =	vst v1  }
0x59: {  	[tilespmem:s26+$0x350] =	vst v1  }
0x5a: {  	[tilespmem:s26+$0x360] =	vst v1  }
0x5b: {  	[tilespmem:s26+$0x370] =	vst v1  }
0x5c: {  	[tilespmem:s26+$0x380] =	vst v1  }
.Ltmp0:
0x5d: {  	[tilespmem:s26+$0x390] =	vst v1;
	(pc) =	sbr.rel @p0 .LBB2_2-.Ltmp0, $4  }
0x5e: {  	[tilespmem:s26+$0x3A0] =	vst v1  }
0x5f: {  	[tilespmem:s26+$0x3B0] =	vst v1  }
0x60: {  	[tilespmem:s26+$0x3C0] =	vst v1;
	s26 =	sshra.s32 s28, $0x2  }
0x61: {  	s28 =	sadd.s32 $0xFA0, s28;
	[tilespmem:s26+$0x3D0] =	vst v1  }
0x62: {  	[tilespmem:s26+$0x3D8] =	vst v1  }
0x63: {  	[tilespmem:s26+$0x0] =	vst v1  }
0x64: {  	[tilespmem:s26+$0x10] =	vst v1  }
0x65: {  	[tilespmem:s26+$0x20] =	vst v1  }
0x66: {  	[tilespmem:s26+$0x30] =	vst v1  }
0x67: {  	[tilespmem:s26+$0x40] =	vst v1  }
0x68: {  	[tilespmem:s26+$0x50] =	vst v1  }
0x69: {  	[tilespmem:s26+$0x60] =	vst v1  }
0x6a: {  	[tilespmem:s26+$0x70] =	vst v1  }
0x6b: {  	[tilespmem:s26+$0x80] =	vst v1  }
0x6c: {  	[tilespmem:s26+$0x90] =	vst v1  }
0x6d: {  	[tilespmem:s26+$0xA0] =	vst v1  }
0x6e: {  	[tilespmem:s26+$0xB0] =	vst v1  }
0x6f: {  	[tilespmem:s26+$0xC0] =	vst v1  }
0x70: {  	[tilespmem:s26+$0xD0] =	vst v1  }
0x71: {  	[tilespmem:s26+$0xE0] =	vst v1  }
0x72: {  	[tilespmem:s26+$0xF0] =	vst v1  }
0x73: {  	[tilespmem:s26+$0x100] =	vst v1  }
0x74: {  	[tilespmem:s26+$0x110] =	vst v1  }
0x75: {  	[tilespmem:s26+$0x120] =	vst v1  }
0x76: {  	[tilespmem:s26+$0x130] =	vst v1  }
0x77: {  	[tilespmem:s26+$0x140] =	vst v1  }
0x78: {  	[tilespmem:s26+$0x150] =	vst v1  }
0x79: {  	[tilespmem:s26+$0x160] =	vst v1  }
0x7a: {  	[tilespmem:s26+$0x170] =	vst v1  }
0x7b: {  	[tilespmem:s26+$0x180] =	vst v1  }
0x7c: {  	[tilespmem:s26+$0x190] =	vst v1  }
0x7d: {  	[tilespmem:s26+$0x1A0] =	vst v1  }
0x7e: {  	[tilespmem:s26+$0x1B0] =	vst v1  }
0x7f: {  	[tilespmem:s26+$0x1C0] =	vst v1  }
0x80: {  	[tilespmem:s26+$0x1D0] =	vst v1  }
0x81: {  	[tilespmem:s26+$0x1E0] =	vst v1  }
0x82: {  	[tilespmem:s26+$0x1F0] =	vst v1  }
0x83: {  	[tilespmem:s26+$0x200] =	vst v1  }
0x84: {  	[tilespmem:s26+$0x210] =	vst v1  }
0x85: {  	[tilespmem:s26+$0x220] =	vst v1  }
0x86: {  	[tilespmem:s26+$0x230] =	vst v1  }
0x87: {  	[tilespmem:s26+$0x240] =	vst v1  }
0x88: {  	[tilespmem:s26+$0x250] =	vst v1  }
0x89: {  	[tilespmem:s26+$0x260] =	vst v1  }
0x8a: {  	[tilespmem:s26+$0x270] =	vst v1  }
0x8b: {  	[tilespmem:s26+$0x280] =	vst v1  }
0x8c: {  	[tilespmem:s26+$0x290] =	vst v1  }
0x8d: {  	[tilespmem:s26+$0x2A0] =	vst v1  }
0x8e: {  	[tilespmem:s26+$0x2B0] =	vst v1  }
0x8f: {  	[tilespmem:s26+$0x2C0] =	vst v1  }
0x90: {  	[tilespmem:s26+$0x2D0] =	vst v1  }
0x91: {  	[tilespmem:s26+$0x2E0] =	vst v1  }
0x92: {  	[tilespmem:s26+$0x2F0] =	vst v1  }
0x93: {  	[tilespmem:s26+$0x300] =	vst v1  }
0x94: {  	[tilespmem:s26+$0x310] =	vst v1  }
0x95: {  	[tilespmem:s26+$0x320] =	vst v1  }
0x96: {  	[tilespmem:s26+$0x330] =	vst v1  }
0x97: {  	[tilespmem:s26+$0x340] =	vst v1  }
0x98: {  	[tilespmem:s26+$0x350] =	vst v1  }
0x99: {  	[tilespmem:s26+$0x360] =	vst v1  }
0x9a: {  	[tilespmem:s26+$0x370] =	vst v1  }
0x9b: {  	[tilespmem:s26+$0x380] =	vst v1  }
0x9c: {  	[tilespmem:s26+$0x390] =	vst v1  }
0x9d: {  	[tilespmem:s26+$0x3A0] =	vst v1  }
0x9e: {  	[tilespmem:s26+$0x3B0] =	vst v1  }
0x9f: {  	[tilespmem:s26+$0x3C0] =	vst v1;
	s26 =	simm.s32 $0x0  }
0xa0: {  	s28 =	simm.s32 $0xFA0;
	[tilespmem:s26+$0x80D0] =	vst v1  }
.LBB2_4:
0xa1: {  	p0 =	sne.s32 s28, $0x1E460;
	[tilespmem:s26+$0x80D8] =	vst v1  }
0xa2: {  	[tilespmem:s26+$0x7D00] =	vst v1  }
0xa3: {  	[tilespmem:s26+$0x7D10] =	vst v1  }
0xa4: {  	[tilespmem:s26+$0x7D20] =	vst v1  }
0xa5: {  	[tilespmem:s26+$0x7D30] =	vst v1  }
0xa6: {  	[tilespmem:s26+$0x7D40] =	vst v1  }
0xa7: {  	[tilespmem:s26+$0x7D50] =	vst v1  }
0xa8: {  	[tilespmem:s26+$0x7D60] =	vst v1  }
0xa9: {  	[tilespmem:s26+$0x7D70] =	vst v1  }
0xaa: {  	[tilespmem:s26+$0x7D80] =	vst v1  }
0xab: {  	[tilespmem:s26+$0x7D90] =	vst v1  }
0xac: {  	[tilespmem:s26+$0x7DA0] =	vst v1  }
0xad: {  	[tilespmem:s26+$0x7DB0] =	vst v1  }
0xae: {  	[tilespmem:s26+$0x7DC0] =	vst v1  }
0xaf: {  	[tilespmem:s26+$0x7DD0] =	vst v1  }
0xb0: {  	[tilespmem:s26+$0x7DE0] =	vst v1  }
0xb1: {  	[tilespmem:s26+$0x7DF0] =	vst v1  }
0xb2: {  	[tilespmem:s26+$0x7E00] =	vst v1  }
0xb3: {  	[tilespmem:s26+$0x7E10] =	vst v1  }
0xb4: {  	[tilespmem:s26+$0x7E20] =	vst v1  }
0xb5: {  	[tilespmem:s26+$0x7E30] =	vst v1  }
0xb6: {  	[tilespmem:s26+$0x7E40] =	vst v1  }
0xb7: {  	[tilespmem:s26+$0x7E50] =	vst v1  }
0xb8: {  	[tilespmem:s26+$0x7E60] =	vst v1  }
0xb9: {  	[tilespmem:s26+$0x7E70] =	vst v1  }
0xba: {  	[tilespmem:s26+$0x7E80] =	vst v1  }
0xbb: {  	[tilespmem:s26+$0x7E90] =	vst v1  }
0xbc: {  	[tilespmem:s26+$0x7EA0] =	vst v1  }
0xbd: {  	[tilespmem:s26+$0x7EB0] =	vst v1  }
0xbe: {  	[tilespmem:s26+$0x7EC0] =	vst v1  }
0xbf: {  	[tilespmem:s26+$0x7ED0] =	vst v1  }
0xc0: {  	[tilespmem:s26+$0x7EE0] =	vst v1  }
0xc1: {  	[tilespmem:s26+$0x7EF0] =	vst v1  }
0xc2: {  	[tilespmem:s26+$0x7F00] =	vst v1  }
0xc3: {  	[tilespmem:s26+$0x7F10] =	vst v1  }
0xc4: {  	[tilespmem:s26+$0x7F20] =	vst v1  }
0xc5: {  	[tilespmem:s26+$0x7F30] =	vst v1  }
0xc6: {  	[tilespmem:s26+$0x7F40] =	vst v1  }
0xc7: {  	[tilespmem:s26+$0x7F50] =	vst v1  }
0xc8: {  	[tilespmem:s26+$0x7F60] =	vst v1  }
0xc9: {  	[tilespmem:s26+$0x7F70] =	vst v1  }
0xca: {  	[tilespmem:s26+$0x7F80] =	vst v1  }
0xcb: {  	[tilespmem:s26+$0x7F90] =	vst v1  }
0xcc: {  	[tilespmem:s26+$0x7FA0] =	vst v1  }
0xcd: {  	[tilespmem:s26+$0x7FB0] =	vst v1  }
0xce: {  	[tilespmem:s26+$0x7FC0] =	vst v1  }
0xcf: {  	[tilespmem:s26+$0x7FD0] =	vst v1  }
0xd0: {  	[tilespmem:s26+$0x7FE0] =	vst v1  }
0xd1: {  	[tilespmem:s26+$0x7FF0] =	vst v1  }
0xd2: {  	[tilespmem:s26+$0x8000] =	vst v1  }
0xd3: {  	[tilespmem:s26+$0x8010] =	vst v1  }
0xd4: {  	[tilespmem:s26+$0x8020] =	vst v1  }
0xd5: {  	[tilespmem:s26+$0x8030] =	vst v1  }
0xd6: {  	[tilespmem:s26+$0x8040] =	vst v1  }
0xd7: {  	[tilespmem:s26+$0x8050] =	vst v1  }
0xd8: {  	[tilespmem:s26+$0x8060] =	vst v1  }
0xd9: {  	[tilespmem:s26+$0x8070] =	vst v1  }
0xda: {  	[tilespmem:s26+$0x8080] =	vst v1  }
.Ltmp1:
0xdb: {  	[tilespmem:s26+$0x8090] =	vst v1;
	(pc) =	sbr.rel @p0 .LBB2_4-.Ltmp1, $4  }
0xdc: {  	[tilespmem:s26+$0x80A0] =	vst v1  }
0xdd: {  	[tilespmem:s26+$0x80B0] =	vst v1  }
0xde: {  	[tilespmem:s26+$0x80C0] =	vst v1;
	s26 =	sshra.s32 s28, $0x2  }
0xdf: {  	s28 =	sadd.s32 $0xFA0, s28;
	[tilespmem:s26+$0x80D0] =	vst v1  }
0xe0: {  	[tilespmem:s26+$0x80D8] =	vst v1  }
0xe1: {  	[tilespmem:s26+$0x7D00] =	vst v1  }
0xe2: {  	[tilespmem:s26+$0x7D10] =	vst v1  }
0xe3: {  	[tilespmem:s26+$0x7D20] =	vst v1  }
0xe4: {  	[tilespmem:s26+$0x7D30] =	vst v1  }
0xe5: {  	[tilespmem:s26+$0x7D40] =	vst v1  }
0xe6: {  	[tilespmem:s26+$0x7D50] =	vst v1  }
0xe7: {  	[tilespmem:s26+$0x7D60] =	vst v1  }
0xe8: {  	[tilespmem:s26+$0x7D70] =	vst v1  }
0xe9: {  	[tilespmem:s26+$0x7D80] =	vst v1  }
0xea: {  	[tilespmem:s26+$0x7D90] =	vst v1  }
0xeb: {  	[tilespmem:s26+$0x7DA0] =	vst v1  }
0xec: {  	[tilespmem:s26+$0x7DB0] =	vst v1  }
0xed: {  	[tilespmem:s26+$0x7DC0] =	vst v1  }
0xee: {  	[tilespmem:s26+$0x7DD0] =	vst v1  }
0xef: {  	[tilespmem:s26+$0x7DE0] =	vst v1  }
0xf0: {  	[tilespmem:s26+$0x7DF0] =	vst v1  }
0xf1: {  	[tilespmem:s26+$0x7E00] =	vst v1  }
0xf2: {  	[tilespmem:s26+$0x7E10] =	vst v1  }
0xf3: {  	[tilespmem:s26+$0x7E20] =	vst v1  }
0xf4: {  	[tilespmem:s26+$0x7E30] =	vst v1  }
0xf5: {  	[tilespmem:s26+$0x7E40] =	vst v1  }
0xf6: {  	[tilespmem:s26+$0x7E50] =	vst v1  }
0xf7: {  	[tilespmem:s26+$0x7E60] =	vst v1  }
0xf8: {  	[tilespmem:s26+$0x7E70] =	vst v1  }
0xf9: {  	[tilespmem:s26+$0x7E80] =	vst v1  }
0xfa: {  	[tilespmem:s26+$0x7E90] =	vst v1  }
0xfb: {  	[tilespmem:s26+$0x7EA0] =	vst v1  }
0xfc: {  	[tilespmem:s26+$0x7EB0] =	vst v1  }
0xfd: {  	[tilespmem:s26+$0x7EC0] =	vst v1  }
0xfe: {  	[tilespmem:s26+$0x7ED0] =	vst v1  }
0xff: {  	[tilespmem:s26+$0x7EE0] =	vst v1  }
0x100: {  	[tilespmem:s26+$0x7EF0] =	vst v1  }
0x101: {  	[tilespmem:s26+$0x7F00] =	vst v1  }
0x102: {  	[tilespmem:s26+$0x7F10] =	vst v1  }
0x103: {  	[tilespmem:s26+$0x7F20] =	vst v1  }
0x104: {  	[tilespmem:s26+$0x7F30] =	vst v1  }
0x105: {  	[tilespmem:s26+$0x7F40] =	vst v1  }
0x106: {  	[tilespmem:s26+$0x7F50] =	vst v1  }
0x107: {  	[tilespmem:s26+$0x7F60] =	vst v1  }
0x108: {  	[tilespmem:s26+$0x7F70] =	vst v1  }
0x109: {  	[tilespmem:s26+$0x7F80] =	vst v1  }
0x10a: {  	[tilespmem:s26+$0x7F90] =	vst v1  }
0x10b: {  	[tilespmem:s26+$0x7FA0] =	vst v1  }
0x10c: {  	[tilespmem:s26+$0x7FB0] =	vst v1  }
0x10d: {  	[tilespmem:s26+$0x7FC0] =	vst v1  }
0x10e: {  	[tilespmem:s26+$0x7FD0] =	vst v1  }
0x10f: {  	[tilespmem:s26+$0x7FE0] =	vst v1  }
0x110: {  	[tilespmem:s26+$0x7FF0] =	vst v1  }
0x111: {  	[tilespmem:s26+$0x8000] =	vst v1  }
0x112: {  	[tilespmem:s26+$0x8010] =	vst v1  }
0x113: {  	[tilespmem:s26+$0x8020] =	vst v1  }
0x114: {  	[tilespmem:s26+$0x8030] =	vst v1  }
0x115: {  	[tilespmem:s26+$0x8040] =	vst v1  }
0x116: {  	[tilespmem:s26+$0x8050] =	vst v1  }
0x117: {  	[tilespmem:s26+$0x8060] =	vst v1  }
0x118: {  	[tilespmem:s26+$0x8070] =	vst v1  }
0x119: {  	[tilespmem:s26+$0x8080] =	vst v1  }
0x11a: {  	[tilespmem:s26+$0x8090] =	vst v1  }
0x11b: {  	[tilespmem:s26+$0x80A0] =	vst v1  }
0x11c: {  	[tilespmem:s26+$0x80B0] =	vst v1  }
0x11d: {  	[tilespmem:s26+$0x80C0] =	vst v1;
	s26 =	simm.s32 $0x0  }
0x11e: {  	s28 =	simm.s32 $0xFA0;
	[tilespmem:s26+$0xFDD0] =	vst v1  }
.LBB2_6:
0x11f: {  	p0 =	sne.s32 s28, $0x1E460;
	[tilespmem:s26+$0xFDD8] =	vst v1  }
0x120: {  	[tilespmem:s26+$0xFA00] =	vst v1  }
0x121: {  	[tilespmem:s26+$0xFA10] =	vst v1  }
0x122: {  	[tilespmem:s26+$0xFA20] =	vst v1  }
0x123: {  	[tilespmem:s26+$0xFA30] =	vst v1  }
0x124: {  	[tilespmem:s26+$0xFA40] =	vst v1  }
0x125: {  	[tilespmem:s26+$0xFA50] =	vst v1  }
0x126: {  	[tilespmem:s26+$0xFA60] =	vst v1  }
0x127: {  	[tilespmem:s26+$0xFA70] =	vst v1  }
0x128: {  	[tilespmem:s26+$0xFA80] =	vst v1  }
0x129: {  	[tilespmem:s26+$0xFA90] =	vst v1  }
0x12a: {  	[tilespmem:s26+$0xFAA0] =	vst v1  }
0x12b: {  	[tilespmem:s26+$0xFAB0] =	vst v1  }
0x12c: {  	[tilespmem:s26+$0xFAC0] =	vst v1  }
0x12d: {  	[tilespmem:s26+$0xFAD0] =	vst v1  }
0x12e: {  	[tilespmem:s26+$0xFAE0] =	vst v1  }
0x12f: {  	[tilespmem:s26+$0xFAF0] =	vst v1  }
0x130: {  	[tilespmem:s26+$0xFB00] =	vst v1  }
0x131: {  	[tilespmem:s26+$0xFB10] =	vst v1  }
0x132: {  	[tilespmem:s26+$0xFB20] =	vst v1  }
0x133: {  	[tilespmem:s26+$0xFB30] =	vst v1  }
0x134: {  	[tilespmem:s26+$0xFB40] =	vst v1  }
0x135: {  	[tilespmem:s26+$0xFB50] =	vst v1  }
0x136: {  	[tilespmem:s26+$0xFB60] =	vst v1  }
0x137: {  	[tilespmem:s26+$0xFB70] =	vst v1  }
0x138: {  	[tilespmem:s26+$0xFB80] =	vst v1  }
0x139: {  	[tilespmem:s26+$0xFB90] =	vst v1  }
0x13a: {  	[tilespmem:s26+$0xFBA0] =	vst v1  }
0x13b: {  	[tilespmem:s26+$0xFBB0] =	vst v1  }
0x13c: {  	[tilespmem:s26+$0xFBC0] =	vst v1  }
0x13d: {  	[tilespmem:s26+$0xFBD0] =	vst v1  }
0x13e: {  	[tilespmem:s26+$0xFBE0] =	vst v1  }
0x13f: {  	[tilespmem:s26+$0xFBF0] =	vst v1  }
0x140: {  	[tilespmem:s26+$0xFC00] =	vst v1  }
0x141: {  	[tilespmem:s26+$0xFC10] =	vst v1  }
0x142: {  	[tilespmem:s26+$0xFC20] =	vst v1  }
0x143: {  	[tilespmem:s26+$0xFC30] =	vst v1  }
0x144: {  	[tilespmem:s26+$0xFC40] =	vst v1  }
0x145: {  	[tilespmem:s26+$0xFC50] =	vst v1  }
0x146: {  	[tilespmem:s26+$0xFC60] =	vst v1  }
0x147: {  	[tilespmem:s26+$0xFC70] =	vst v1  }
0x148: {  	[tilespmem:s26+$0xFC80] =	vst v1  }
0x149: {  	[tilespmem:s26+$0xFC90] =	vst v1  }
0x14a: {  	[tilespmem:s26+$0xFCA0] =	vst v1  }
0x14b: {  	[tilespmem:s26+$0xFCB0] =	vst v1  }
0x14c: {  	[tilespmem:s26+$0xFCC0] =	vst v1  }
0x14d: {  	[tilespmem:s26+$0xFCD0] =	vst v1  }
0x14e: {  	[tilespmem:s26+$0xFCE0] =	vst v1  }
0x14f: {  	[tilespmem:s26+$0xFCF0] =	vst v1  }
0x150: {  	[tilespmem:s26+$0xFD00] =	vst v1  }
0x151: {  	[tilespmem:s26+$0xFD10] =	vst v1  }
0x152: {  	[tilespmem:s26+$0xFD20] =	vst v1  }
0x153: {  	[tilespmem:s26+$0xFD30] =	vst v1  }
0x154: {  	[tilespmem:s26+$0xFD40] =	vst v1  }
0x155: {  	[tilespmem:s26+$0xFD50] =	vst v1  }
0x156: {  	[tilespmem:s26+$0xFD60] =	vst v1  }
0x157: {  	[tilespmem:s26+$0xFD70] =	vst v1  }
0x158: {  	[tilespmem:s26+$0xFD80] =	vst v1  }
.Ltmp2:
0x159: {  	[tilespmem:s26+$0xFD90] =	vst v1;
	(pc) =	sbr.rel @p0 .LBB2_6-.Ltmp2, $4  }
0x15a: {  	[tilespmem:s26+$0xFDA0] =	vst v1  }
0x15b: {  	[tilespmem:s26+$0xFDB0] =	vst v1  }
0x15c: {  	[tilespmem:s26+$0xFDC0] =	vst v1;
	s26 =	sshra.s32 s28, $0x2  }
0x15d: {  	s28 =	sadd.s32 $0xFA0, s28;
	[tilespmem:s26+$0xFDD0] =	vst v1  }
0x15e: {  	[tilespmem:s26+$0xFDD8] =	vst v1  }
0x15f: {  	[tilespmem:s26+$0xFA00] =	vst v1  }
0x160: {  	[tilespmem:s26+$0xFA10] =	vst v1  }
0x161: {  	[tilespmem:s26+$0xFA20] =	vst v1  }
0x162: {  	[tilespmem:s26+$0xFA30] =	vst v1  }
0x163: {  	[tilespmem:s26+$0xFA40] =	vst v1  }
0x164: {  	[tilespmem:s26+$0xFA50] =	vst v1  }
0x165: {  	[tilespmem:s26+$0xFA60] =	vst v1  }
0x166: {  	[tilespmem:s26+$0xFA70] =	vst v1  }
0x167: {  	[tilespmem:s26+$0xFA80] =	vst v1  }
0x168: {  	[tilespmem:s26+$0xFA90] =	vst v1  }
0x169: {  	[tilespmem:s26+$0xFAA0] =	vst v1  }
0x16a: {  	[tilespmem:s26+$0xFAB0] =	vst v1  }
0x16b: {  	[tilespmem:s26+$0xFAC0] =	vst v1  }
0x16c: {  	[tilespmem:s26+$0xFAD0] =	vst v1  }
0x16d: {  	[tilespmem:s26+$0xFAE0] =	vst v1  }
0x16e: {  	[tilespmem:s26+$0xFAF0] =	vst v1  }
0x16f: {  	[tilespmem:s26+$0xFB00] =	vst v1  }
0x170: {  	[tilespmem:s26+$0xFB10] =	vst v1  }
0x171: {  	[tilespmem:s26+$0xFB20] =	vst v1  }
0x172: {  	[tilespmem:s26+$0xFB30] =	vst v1  }
0x173: {  	[tilespmem:s26+$0xFB40] =	vst v1  }
0x174: {  	[tilespmem:s26+$0xFB50] =	vst v1  }
0x175: {  	[tilespmem:s26+$0xFB60] =	vst v1  }
0x176: {  	[tilespmem:s26+$0xFB70] =	vst v1  }
0x177: {  	[tilespmem:s26+$0xFB80] =	vst v1  }
0x178: {  	[tilespmem:s26+$0xFB90] =	vst v1  }
0x179: {  	[tilespmem:s26+$0xFBA0] =	vst v1  }
0x17a: {  	[tilespmem:s26+$0xFBB0] =	vst v1  }
0x17b: {  	[tilespmem:s26+$0xFBC0] =	vst v1  }
0x17c: {  	[tilespmem:s26+$0xFBD0] =	vst v1  }
0x17d: {  	[tilespmem:s26+$0xFBE0] =	vst v1  }
0x17e: {  	[tilespmem:s26+$0xFBF0] =	vst v1  }
0x17f: {  	[tilespmem:s26+$0xFC00] =	vst v1  }
0x180: {  	[tilespmem:s26+$0xFC10] =	vst v1  }
0x181: {  	[tilespmem:s26+$0xFC20] =	vst v1  }
0x182: {  	[tilespmem:s26+$0xFC30] =	vst v1  }
0x183: {  	[tilespmem:s26+$0xFC40] =	vst v1  }
0x184: {  	[tilespmem:s26+$0xFC50] =	vst v1  }
0x185: {  	[tilespmem:s26+$0xFC60] =	vst v1  }
0x186: {  	[tilespmem:s26+$0xFC70] =	vst v1  }
0x187: {  	[tilespmem:s26+$0xFC80] =	vst v1  }
0x188: {  	[tilespmem:s26+$0xFC90] =	vst v1  }
0x189: {  	[tilespmem:s26+$0xFCA0] =	vst v1  }
0x18a: {  	[tilespmem:s26+$0xFCB0] =	vst v1  }
0x18b: {  	[tilespmem:s26+$0xFCC0] =	vst v1  }
0x18c: {  	[tilespmem:s26+$0xFCD0] =	vst v1  }
0x18d: {  	[tilespmem:s26+$0xFCE0] =	vst v1  }
0x18e: {  	[tilespmem:s26+$0xFCF0] =	vst v1  }
0x18f: {  	[tilespmem:s26+$0xFD00] =	vst v1  }
0x190: {  	[tilespmem:s26+$0xFD10] =	vst v1  }
0x191: {  	[tilespmem:s26+$0xFD20] =	vst v1  }
0x192: {  	[tilespmem:s26+$0xFD30] =	vst v1  }
0x193: {  	[tilespmem:s26+$0xFD40] =	vst v1  }
0x194: {  	[tilespmem:s26+$0xFD50] =	vst v1  }
0x195: {  	[tilespmem:s26+$0xFD60] =	vst v1  }
0x196: {  	[tilespmem:s26+$0xFD70] =	vst v1  }
0x197: {  	[tilespmem:s26+$0xFD80] =	vst v1  }
0x198: {  	[tilespmem:s26+$0xFD90] =	vst v1  }
0x199: {  	[tilespmem:s26+$0xFDA0] =	vst v1  }
0x19a: {  	[tilespmem:s26+$0xFDB0] =	vst v1  }
0x19b: {  	[tilespmem:s26+$0xFDC0] =	vst v1  }
0x19c: {  	_ =	swait.ge [sflag:s29], $0x80  }
0x19d: {  	[sflag:s29] =	ssyncset.done $0x0  }
0x19e: {  	[sflag:s29] =	ssyncadd.s32 $0xFFFFFF80  }
0x19f: {  	_ =	swait.ge [sflag:s29], $0x80  }
0x1a0: {  	[sflag:s29] =	ssyncset.done $0x0  }
0x1a1: {  	[sflag:s29] =	ssyncadd.s32 $0xFFFFFF80  }
0x1a2: {  	_ =	swait.ge [sflag:s29], $0x80  }
0x1a3: {  	[sflag:s29] =	ssyncset.done $0x0  }
0x1a4: {  	[sflag:s29] =	ssyncadd.s32 $0xFFFFFF80  }
0x1a5: {  	_ =	swait.ge [sflag:s29], $0x80  }
0x1a6: {  	[sflag:s29] =	ssyncset.done $0x0  }
0x1a7: {  	[sflag:s29] =	ssyncadd.s32 $0xFFFFFF80  }
0x1a8: {  	v4 =	vld [tilespmem:$0x17700];
	_ =	sdelay $0x4  }
0x1a9: {  	v4 =	vadd.s32 v0, v4;
	_ =	sdelay $0x4  }
0x1aa: {  	[tilespmem:v4+s2+$0x0] =	vst.idx.msk $0xffff, v2  }
0x1ab: {  	v4 =	vld [tilespmem:$0x17710];
	_ =	sdelay $0x4  }
0x1ac: {  	v4 =	vadd.s32 v3, v4;
	_ =	sdelay $0x4  }
0x1ad: {  	[tilespmem:v4+s2+$0x0] =	vst.idx.msk $0xffff, v2  }
0x1ae: {  	[hbm4b:s7+s2] =	stream.linear.scatter [tilespmem:s2], [sflag:$0x2], $0x7D00, $0x38;
	[tilespmem:$0x17900] =	vst v63  }
0x1af: {  	v4 =	vld [tilespmem:$0x17720];
	_ =	sdelay $0x4  }
0x1b0: {  	v4 =	vadd.s32 v0, v4;
	_ =	sdelay $0x4  }
0x1b1: {  	[tilespmem:v4+s30+$0x0] =	vst.idx.msk $0xffff, v2  }
0x1b2: {  	v4 =	vld [tilespmem:$0x17730];
	_ =	sdelay $0x4  }
0x1b3: {  	v4 =	vadd.s32 v3, v4;
	_ =	sdelay $0x4  }
0x1b4: {  	[tilespmem:v4+s30+$0x0] =	vst.idx.msk $0xffff, v2  }
0x1b5: {  	[hbm4b:s8+s2] =	stream.linear.scatter [tilespmem:s30], [sflag:$0x3], $0x7D00, $0x38;
	[tilespmem:$0x17900] =	vst v63  }
0x1b6: {  	v4 =	vld [tilespmem:$0x17740];
	_ =	sdelay $0x4  }
0x1b7: {  	v4 =	vadd.s32 v0, v4;
	_ =	sdelay $0x4  }
0x1b8: {  	[tilespmem:v4+s31+$0x0] =	vst.idx.msk $0xffff, v2  }
0x1b9: {  	v4 =	vld [tilespmem:$0x17750];
	_ =	sdelay $0x4  }
0x1ba: {  	v4 =	vadd.s32 v3, v4;
	_ =	sdelay $0x4  }
0x1bb: {  	[tilespmem:v4+s31+$0x0] =	vst.idx.msk $0xffff, v2  }
0x1bc: {  	[hbm4b:s9+s2] =	stream.linear.scatter [tilespmem:s31], [sflag:$0x4], $0x7D00, $0x38;
	[tilespmem:$0x17900] =	vst v63  }
0x1bd: {  	_ =	swait.ge [sflag:s0], $0x7D00  }
0x1be: {  	[sflag:s0] =	ssyncset.done $0x0  }
0x1bf: {  	[sflag:s0] =	ssyncadd.s32 $0xFFFF8300  }
0x1c0: {  	v4 =	vld [tilespmem:$0x17700];
	_ =	sdelay $0x4  }
0x1c1: {  	v4 =	vadd.s32 v0, v4;
	_ =	sdelay $0x4  }
0x1c2: {  	[tilespmem:v4+s2+$0x0] =	vst.idx.msk $0xffff, v1  }
0x1c3: {  	v4 =	vld [tilespmem:$0x17710];
	_ =	sdelay $0x4  }
0x1c4: {  	v4 =	vadd.s32 v3, v4;
	_ =	sdelay $0x4  }
0x1c5: {  	[tilespmem:v4+s2+$0x0] =	vst.idx.msk $0xffff, v1  }
0x1c6: {  	v4 =	vld [tilespmem:$0x17760];
	_ =	sdelay $0x4  }
0x1c7: {  	v4 =	vadd.s32 v0, v4;
	_ =	sdelay $0x4  }
0x1c8: {  	[tilespmem:v4+s2+$0x0] =	vst.idx.msk $0xffff, v2  }
0x1c9: {  	v4 =	vld [tilespmem:$0x17770];
	_ =	sdelay $0x4  }
0x1ca: {  	v4 =	vadd.s32 v3, v4;
	_ =	sdelay $0x4  }
0x1cb: {  	[tilespmem:v4+s2+$0x0] =	vst.idx.msk $0xffff, v2  }
0x1cc: {  	[hbm4b:s10+s2] =	stream.linear.scatter [tilespmem:s2], [sflag:$0x2], $0x7D00, $0x38;
	[tilespmem:$0x17900] =	vst v63  }
0x1cd: {  	_ =	swait.ge [sflag:s1], $0x7D00  }
0x1ce: {  	[sflag:s1] =	ssyncset.done $0x0  }
0x1cf: {  	[sflag:s1] =	ssyncadd.s32 $0xFFFF8300  }
0x1d0: {  	v4 =	vld [tilespmem:$0x17720];
	_ =	sdelay $0x4  }
0x1d1: {  	v4 =	vadd.s32 v0, v4;
	_ =	sdelay $0x4  }
0x1d2: {  	[tilespmem:v4+s30+$0x0] =	vst.idx.msk $0xffff, v1  }
0x1d3: {  	v4 =	vld [tilespmem:$0x17730];
	_ =	sdelay $0x4  }
0x1d4: {  	v4 =	vadd.s32 v3, v4;
	_ =	sdelay $0x4  }
0x1d5: {  	[tilespmem:v4+s30+$0x0] =	vst.idx.msk $0xffff, v1  }
0x1d6: {  	v4 =	vld [tilespmem:$0x17780];
	_ =	sdelay $0x4  }
0x1d7: {  	v4 =	vadd.s32 v0, v4;
	_ =	sdelay $0x4  }
0x1d8: {  	[tilespmem:v4+s30+$0x0] =	vst.idx.msk $0xffff, v2  }
0x1d9: {  	v4 =	vld [tilespmem:$0x17790];
	_ =	sdelay $0x4  }
0x1da: {  	v4 =	vadd.s32 v3, v4;
	_ =	sdelay $0x4  }
0x1db: {  	[tilespmem:v4+s30+$0x0] =	vst.idx.msk $0xffff, v2  }
0x1dc: {  	[hbm4b:s11+s2] =	stream.linear.scatter [tilespmem:s30], [sflag:$0x3], $0x7D00, $0x38;
	[tilespmem:$0x17900] =	vst v63  }
0x1dd: {  	_ =	swait.ge [sflag:s24], $0x7D00  }
0x1de: {  	[sflag:s24] =	ssyncset.done $0x0  }
0x1df: {  	[sflag:s24] =	ssyncadd.s32 $0xFFFF8300  }
0x1e0: {  	v4 =	vld [tilespmem:$0x17740];
	_ =	sdelay $0x4  }
0x1e1: {  	v4 =	vadd.s32 v0, v4;
	_ =	sdelay $0x4  }
0x1e2: {  	[tilespmem:v4+s31+$0x0] =	vst.idx.msk $0xffff, v1  }
0x1e3: {  	v4 =	vld [tilespmem:$0x17750];
	_ =	sdelay $0x4  }
0x1e4: {  	v4 =	vadd.s32 v3, v4;
	_ =	sdelay $0x4  }
0x1e5: {  	[tilespmem:v4+s31+$0x0] =	vst.idx.msk $0xffff, v1  }
0x1e6: {  	v4 =	vld [tilespmem:$0x177A0];
	_ =	sdelay $0x4  }
0x1e7: {  	v4 =	vadd.s32 v0, v4;
	_ =	sdelay $0x4  }
0x1e8: {  	[tilespmem:v4+s31+$0x0] =	vst.idx.msk $0xffff, v2  }
0x1e9: {  	v4 =	vld [tilespmem:$0x177B0];
	_ =	sdelay $0x4  }
0x1ea: {  	v4 =	vadd.s32 v3, v4;
	_ =	sdelay $0x4  }
0x1eb: {  	[tilespmem:v4+s31+$0x0] =	vst.idx.msk $0xffff, v2  }
0x1ec: {  	[hbm4b:s12+s2] =	stream.linear.scatter [tilespmem:s31], [sflag:$0x4], $0x7D00, $0x38;
	[tilespmem:$0x17900] =	vst v63  }
0x1ed: {  	_ =	swait.ge [sflag:s0], $0x7D00  }
0x1ee: {  	[sflag:s0] =	ssyncset.done $0x0  }
0x1ef: {  	[sflag:s0] =	ssyncadd.s32 $0xFFFF8300  }
0x1f0: {  	v4 =	vld [tilespmem:$0x17760];
	_ =	sdelay $0x4  }
0x1f1: {  	v4 =	vadd.s32 v0, v4;
	_ =	sdelay $0x4  }
0x1f2: {  	[tilespmem:v4+s2+$0x0] =	vst.idx.msk $0xffff, v1  }
0x1f3: {  	v4 =	vld [tilespmem:$0x17770];
	_ =	sdelay $0x4  }
0x1f4: {  	v4 =	vadd.s32 v3, v4;
	_ =	sdelay $0x4  }
0x1f5: {  	[tilespmem:v4+s2+$0x0] =	vst.idx.msk $0xffff, v1  }
0x1f6: {  	v4 =	vld [tilespmem:$0x177C0];
	_ =	sdelay $0x4  }
0x1f7: {  	v4 =	vadd.s32 v0, v4;
	_ =	sdelay $0x4  }
0x1f8: {  	[tilespmem:v4+s2+$0x0] =	vst.idx.msk $0xffff, v2  }
0x1f9: {  	v4 =	vld [tilespmem:$0x177D0];
	_ =	sdelay $0x4  }
0x1fa: {  	v4 =	vadd.s32 v3, v4;
	_ =	sdelay $0x4  }
0x1fb: {  	[tilespmem:v4+s2+$0x0] =	vst.idx.msk $0xffff, v2  }
0x1fc: {  	[hbm4b:s13+s2] =	stream.linear.scatter [tilespmem:s2], [sflag:$0x2], $0x7D00, $0x38;
	[tilespmem:$0x17900] =	vst v63  }
0x1fd: {  	_ =	swait.ge [sflag:s1], $0x7D00  }
0x1fe: {  	[sflag:s1] =	ssyncset.done $0x0  }
0x1ff: {  	[sflag:s1] =	ssyncadd.s32 $0xFFFF8300  }
0x200: {  	v4 =	vld [tilespmem:$0x17780];
	_ =	sdelay $0x4  }
0x201: {  	v4 =	vadd.s32 v0, v4;
	_ =	sdelay $0x4  }
0x202: {  	[tilespmem:v4+s30+$0x0] =	vst.idx.msk $0xffff, v1  }
0x203: {  	v4 =	vld [tilespmem:$0x17790];
	_ =	sdelay $0x4  }
0x204: {  	v4 =	vadd.s32 v3, v4;
	_ =	sdelay $0x4  }
0x205: {  	[tilespmem:v4+s30+$0x0] =	vst.idx.msk $0xffff, v1  }
0x206: {  	v4 =	vld [tilespmem:$0x177E0];
	_ =	sdelay $0x4  }
0x207: {  	v4 =	vadd.s32 v0, v4;
	_ =	sdelay $0x4  }
0x208: {  	[tilespmem:v4+s30+$0x0] =	vst.idx.msk $0xffff, v2  }
0x209: {  	v4 =	vld [tilespmem:$0x177F0];
	_ =	sdelay $0x4  }
0x20a: {  	v4 =	vadd.s32 v3, v4;
	_ =	sdelay $0x4  }
0x20b: {  	[tilespmem:v4+s30+$0x0] =	vst.idx.msk $0xffff, v2  }
0x20c: {  	[hbm4b:s14+s2] =	stream.linear.scatter [tilespmem:s30], [sflag:$0x3], $0x7D00, $0x38;
	[tilespmem:$0x17900] =	vst v63  }
0x20d: {  	_ =	swait.ge [sflag:s24], $0x7D00  }
0x20e: {  	[sflag:s24] =	ssyncset.done $0x0  }
0x20f: {  	[sflag:s24] =	ssyncadd.s32 $0xFFFF8300  }
0x210: {  	v4 =	vld [tilespmem:$0x177A0];
	_ =	sdelay $0x4  }
0x211: {  	v4 =	vadd.s32 v0, v4;
	_ =	sdelay $0x4  }
0x212: {  	[tilespmem:v4+s31+$0x0] =	vst.idx.msk $0xffff, v1  }
0x213: {  	v4 =	vld [tilespmem:$0x177B0];
	_ =	sdelay $0x4  }
0x214: {  	v4 =	vadd.s32 v3, v4;
	_ =	sdelay $0x4  }
0x215: {  	[tilespmem:v4+s31+$0x0] =	vst.idx.msk $0xffff, v1  }
0x216: {  	v4 =	vld [tilespmem:$0x17800];
	_ =	sdelay $0x4  }
0x217: {  	v4 =	vadd.s32 v0, v4;
	_ =	sdelay $0x4  }
0x218: {  	[tilespmem:v4+s31+$0x0] =	vst.idx.msk $0xffff, v2  }
0x219: {  	v4 =	vld [tilespmem:$0x17810];
	_ =	sdelay $0x4  }
0x21a: {  	v4 =	vadd.s32 v3, v4;
	_ =	sdelay $0x4  }
0x21b: {  	[tilespmem:v4+s31+$0x0] =	vst.idx.msk $0xffff, v2  }
0x21c: {  	[hbm4b:s15+s2] =	stream.linear.scatter [tilespmem:s31], [sflag:$0x4], $0x7D00, $0x38;
	[tilespmem:$0x17900] =	vst v63  }
0x21d: {  	_ =	swait.ge [sflag:s0], $0x7D00  }
0x21e: {  	[sflag:s0] =	ssyncset.done $0x0  }
0x21f: {  	[sflag:s0] =	ssyncadd.s32 $0xFFFF8300  }
0x220: {  	v4 =	vld [tilespmem:$0x177C0];
	_ =	sdelay $0x4  }
0x221: {  	v4 =	vadd.s32 v0, v4;
	_ =	sdelay $0x4  }
0x222: {  	[tilespmem:v4+s2+$0x0] =	vst.idx.msk $0xffff, v1  }
0x223: {  	v4 =	vld [tilespmem:$0x177D0];
	_ =	sdelay $0x4  }
0x224: {  	v4 =	vadd.s32 v3, v4;
	_ =	sdelay $0x4  }
0x225: {  	[tilespmem:v4+s2+$0x0] =	vst.idx.msk $0xffff, v1  }
0x226: {  	v4 =	vld [tilespmem:$0x17820];
	_ =	sdelay $0x4  }
0x227: {  	v4 =	vadd.s32 v0, v4;
	_ =	sdelay $0x4  }
0x228: {  	[tilespmem:v4+s2+$0x0] =	vst.idx.msk $0xffff, v2  }
0x229: {  	v4 =	vld [tilespmem:$0x17830];
	_ =	sdelay $0x4  }
0x22a: {  	v4 =	vadd.s32 v3, v4;
	_ =	sdelay $0x4  }
0x22b: {  	[tilespmem:v4+s2+$0x0] =	vst.idx.msk $0xffff, v2  }
0x22c: {  	[hbm4b:s16+s2] =	stream.linear.scatter [tilespmem:s2], [sflag:$0x2], $0x7D00, $0x38;
	[tilespmem:$0x17900] =	vst v63  }
0x22d: {  	_ =	swait.ge [sflag:s1], $0x7D00  }
0x22e: {  	[sflag:s1] =	ssyncset.done $0x0  }
0x22f: {  	[sflag:s1] =	ssyncadd.s32 $0xFFFF8300  }
0x230: {  	v4 =	vld [tilespmem:$0x177E0];
	_ =	sdelay $0x4  }
0x231: {  	v4 =	vadd.s32 v0, v4;
	_ =	sdelay $0x4  }
0x232: {  	[tilespmem:v4+s30+$0x0] =	vst.idx.msk $0xffff, v1  }
0x233: {  	v4 =	vld [tilespmem:$0x177F0];
	_ =	sdelay $0x4  }
0x234: {  	v4 =	vadd.s32 v3, v4;
	_ =	sdelay $0x4  }
0x235: {  	[tilespmem:v4+s30+$0x0] =	vst.idx.msk $0xffff, v1  }
0x236: {  	v4 =	vld [tilespmem:$0x17840];
	_ =	sdelay $0x4  }
0x237: {  	v4 =	vadd.s32 v0, v4;
	_ =	sdelay $0x4  }
0x238: {  	[tilespmem:v4+s30+$0x0] =	vst.idx.msk $0xffff, v2  }
0x239: {  	v4 =	vld [tilespmem:$0x17850];
	_ =	sdelay $0x4  }
0x23a: {  	v4 =	vadd.s32 v3, v4;
	_ =	sdelay $0x4  }
0x23b: {  	[tilespmem:v4+s30+$0x0] =	vst.idx.msk $0xffff, v2  }
0x23c: {  	[hbm4b:s17+s2] =	stream.linear.scatter [tilespmem:s30], [sflag:$0x3], $0x7D00, $0x38;
	[tilespmem:$0x17900] =	vst v63  }
0x23d: {  	_ =	swait.ge [sflag:s24], $0x7D00  }
0x23e: {  	[sflag:s24] =	ssyncset.done $0x0  }
0x23f: {  	[sflag:s24] =	ssyncadd.s32 $0xFFFF8300  }
0x240: {  	v4 =	vld [tilespmem:$0x17800];
	_ =	sdelay $0x4  }
0x241: {  	v4 =	vadd.s32 v0, v4;
	_ =	sdelay $0x4  }
0x242: {  	[tilespmem:v4+s31+$0x0] =	vst.idx.msk $0xffff, v1  }
0x243: {  	v4 =	vld [tilespmem:$0x17810];
	_ =	sdelay $0x4  }
0x244: {  	v4 =	vadd.s32 v3, v4;
	_ =	sdelay $0x4  }
0x245: {  	[tilespmem:v4+s31+$0x0] =	vst.idx.msk $0xffff, v1  }
0x246: {  	v4 =	vld [tilespmem:$0x17860];
	_ =	sdelay $0x4  }
0x247: {  	v4 =	vadd.s32 v0, v4;
	_ =	sdelay $0x4  }
0x248: {  	[tilespmem:v4+s31+$0x0] =	vst.idx.msk $0xffff, v2  }
0x249: {  	v4 =	vld [tilespmem:$0x17870];
	_ =	sdelay $0x4  }
0x24a: {  	v4 =	vadd.s32 v3, v4;
	_ =	sdelay $0x4  }
0x24b: {  	[tilespmem:v4+s31+$0x0] =	vst.idx.msk $0xffff, v2  }
0x24c: {  	[hbm4b:s18+s2] =	stream.linear.scatter [tilespmem:s31], [sflag:$0x4], $0x7D00, $0x38;
	[tilespmem:$0x17900] =	vst v63  }
0x24d: {  	_ =	swait.ge [sflag:s0], $0x7D00  }
0x24e: {  	[sflag:s0] =	ssyncset.done $0x0  }
0x24f: {  	[sflag:s0] =	ssyncadd.s32 $0xFFFF8300  }
0x250: {  	v4 =	vld [tilespmem:$0x17820];
	_ =	sdelay $0x4  }
0x251: {  	v4 =	vadd.s32 v0, v4;
	_ =	sdelay $0x4  }
0x252: {  	[tilespmem:v4+s2+$0x0] =	vst.idx.msk $0xffff, v1  }
0x253: {  	v4 =	vld [tilespmem:$0x17830];
	_ =	sdelay $0x4  }
0x254: {  	v4 =	vadd.s32 v3, v4;
	_ =	sdelay $0x4  }
0x255: {  	[tilespmem:v4+s2+$0x0] =	vst.idx.msk $0xffff, v1  }
0x256: {  	v4 =	vld [tilespmem:$0x17880];
	_ =	sdelay $0x4  }
0x257: {  	v4 =	vadd.s32 v0, v4;
	_ =	sdelay $0x4  }
0x258: {  	[tilespmem:v4+s2+$0x0] =	vst.idx.msk $0xffff, v2  }
0x259: {  	v4 =	vld [tilespmem:$0x17890];
	_ =	sdelay $0x4  }
0x25a: {  	v4 =	vadd.s32 v3, v4;
	_ =	sdelay $0x4  }
0x25b: {  	[tilespmem:v4+s2+$0x0] =	vst.idx.msk $0xffff, v2  }
0x25c: {  	[hbm4b:s19+s2] =	stream.linear.scatter [tilespmem:s2], [sflag:$0x2], $0x7D00, $0x38;
	[tilespmem:$0x17900] =	vst v63  }
0x25d: {  	_ =	swait.ge [sflag:s1], $0x7D00  }
0x25e: {  	[sflag:s1] =	ssyncset.done $0x0  }
0x25f: {  	[sflag:s1] =	ssyncadd.s32 $0xFFFF8300  }
0x260: {  	v4 =	vld [tilespmem:$0x17840];
	_ =	sdelay $0x4  }
0x261: {  	v4 =	vadd.s32 v0, v4;
	_ =	sdelay $0x4  }
0x262: {  	[tilespmem:v4+s30+$0x0] =	vst.idx.msk $0xffff, v1  }
0x263: {  	v4 =	vld [tilespmem:$0x17850];
	_ =	sdelay $0x4  }
0x264: {  	v4 =	vadd.s32 v3, v4;
	_ =	sdelay $0x4  }
0x265: {  	[tilespmem:v4+s30+$0x0] =	vst.idx.msk $0xffff, v1  }
0x266: {  	v4 =	vld [tilespmem:$0x178A0];
	_ =	sdelay $0x4  }
0x267: {  	v4 =	vadd.s32 v0, v4;
	_ =	sdelay $0x4  }
0x268: {  	[tilespmem:v4+s30+$0x0] =	vst.idx.msk $0xffff, v2  }
0x269: {  	v4 =	vld [tilespmem:$0x178B0];
	_ =	sdelay $0x4  }
0x26a: {  	v4 =	vadd.s32 v3, v4;
	_ =	sdelay $0x4  }
0x26b: {  	[tilespmem:v4+s30+$0x0] =	vst.idx.msk $0xffff, v2  }
0x26c: {  	[hbm4b:s20+s2] =	stream.linear.scatter [tilespmem:s30], [sflag:$0x3], $0x7D00, $0x38;
	[tilespmem:$0x17900] =	vst v63  }
0x26d: {  	_ =	swait.ge [sflag:s24], $0x7D00  }
0x26e: {  	[sflag:s24] =	ssyncset.done $0x0  }
0x26f: {  	[sflag:s24] =	ssyncadd.s32 $0xFFFF8300  }
0x270: {  	v4 =	vld [tilespmem:$0x17860];
	_ =	sdelay $0x4  }
0x271: {  	v4 =	vadd.s32 v0, v4;
	_ =	sdelay $0x4  }
0x272: {  	[tilespmem:v4+s31+$0x0] =	vst.idx.msk $0xffff, v1  }
0x273: {  	v4 =	vld [tilespmem:$0x17870];
	_ =	sdelay $0x4  }
0x274: {  	v4 =	vadd.s32 v3, v4;
	_ =	sdelay $0x4  }
0x275: {  	[tilespmem:v4+s31+$0x0] =	vst.idx.msk $0xffff, v1  }
0x276: {  	v4 =	vld [tilespmem:$0x178C0];
	_ =	sdelay $0x4  }
0x277: {  	v4 =	vadd.s32 v0, v4;
	_ =	sdelay $0x4  }
0x278: {  	[tilespmem:v4+s31+$0x0] =	vst.idx.msk $0xffff, v2  }
0x279: {  	v4 =	vld [tilespmem:$0x178D0];
	_ =	sdelay $0x4  }
0x27a: {  	v4 =	vadd.s32 v3, v4;
	_ =	sdelay $0x4  }
0x27b: {  	[tilespmem:v4+s31+$0x0] =	vst.idx.msk $0xffff, v2  }
0x27c: {  	[hbm4b:s21+s2] =	stream.linear.scatter [tilespmem:s31], [sflag:$0x4], $0x7D00, $0x38;
	[tilespmem:$0x17900] =	vst v63  }
0x27d: {  	_ =	swait.ge [sflag:s0], $0x7D00  }
0x27e: {  	[sflag:s0] =	ssyncset.done $0x0  }
0x27f: {  	[sflag:s0] =	ssyncadd.s32 $0xFFFF8300  }
0x280: {  	v4 =	vld [tilespmem:$0x17880];
	_ =	sdelay $0x4  }
0x281: {  	v4 =	vadd.s32 v0, v4;
	_ =	sdelay $0x4  }
0x282: {  	[tilespmem:v4+s2+$0x0] =	vst.idx.msk $0xffff, v1  }
0x283: {  	v4 =	vld [tilespmem:$0x17890];
	_ =	sdelay $0x4  }
0x284: {  	v4 =	vadd.s32 v3, v4;
	_ =	sdelay $0x4  }
0x285: {  	[tilespmem:v4+s2+$0x0] =	vst.idx.msk $0xffff, v1  }
0x286: {  	v4 =	vld [tilespmem:$0x178E0];
	_ =	sdelay $0x4  }
0x287: {  	v4 =	vadd.s32 v0, v4;
	_ =	sdelay $0x4  }
0x288: {  	[tilespmem:v4+s2+$0x0] =	vst.idx.msk $0xffff, v2  }
0x289: {  	v4 =	vld [tilespmem:$0x178F0];
	_ =	sdelay $0x4  }
0x28a: {  	v4 =	vadd.s32 v3, v4;
	_ =	sdelay $0x4  }
0x28b: {  	[tilespmem:v4+s2+$0x0] =	vst.idx.msk $0xffff, v2  }
0x28c: {  	[hbm4b:s22+s2] =	stream.linear.scatter [tilespmem:s2], [sflag:$0x2], $0x7D00, $0x38;
	[tilespmem:$0x17900] =	vst v63  }
0x28d: {  	_ =	swait.ge [sflag:s0], $0x7D00  }
0x28e: {  	[sflag:s0] =	ssyncset.done $0x0  }
0x28f: {  	s25 =	sadd.s32 $0x1, s25;
	[sflag:s0] =	ssyncadd.s32 $0xFFFF8300  }
0x290: {  	p0 =	sne.s32 s25, s23;
	_ =	swait.ge [sflag:s1], $0x7D00  }
.Ltmp3:
0x291: {  	[sflag:s1] =	ssyncset.done $0x0;
	(pc) =	sbr.rel @p0 .LBB2_1-.Ltmp3, $4  }
0x292: {  	[sflag:s1] =	ssyncadd.s32 $0xFFFF8300  }
0x293: {  	_ =	swait.ge [sflag:s24], $0x7D00  }
0x294: {  	[sflag:s24] =	ssyncset.done $0x0  }
0x295: {  	[sflag:s24] =	ssyncadd.s32 $0xFFFF8300  }
0x296: {  	_ =	sfence.sel $0x180000  }
0x297: {  	[bflag:$0x0] =	sbarrier.arrive $0xFFFF  }
0x298: {  	_ =	strace $0x90000047  }
0x299: {  	s0 =	stileid.u32;
	[bflag:$0x2] =	sbarrier.arrive $0xFFFF  }
0x29a: {  	p0 =	sne.s32 s0, $0x0;
	s0 =	rddreg [dreg:$0x8]  }
0x29b: {  	s0 =	sadd.s32 @!p0 $0x100000, s0  }
0x29c: {  	[sflag:s0] =	ssyncadd.tile.s32 @!p0 $0x1;
	_ =	shalt  }
.Lfunc_end2:
_tile_overlayer_lowered:
.L_overlay_start_2:
0x29d: {  	(tag) =	ssettag $0x2  }
0x29e: {  	s0 =	rddreg [dreg:$0x0];
	s2 =	stileid.u32  }
0x29f: {  	s1 =	rddreg [dreg:$0x1];
	p0 =	sne.s32 s2, $0x0  }
0x2a0: {  	s3 =	rddreg [dreg:$0x2];
	[bflag:$0x3] =	sbarrier.arrive $0xFFFF;
	s2 =	simm.s32 @!p0 $0x1C05  }
0x2a1: {  	[timem:s3], [sflag:s2] =	dma.local @!p0 [hbm:s0], s1  }
0x2a2: {  	s0 =	simm.s32 @!p0 $0x5  }
0x2a3: {  	_ =	swait.ge @!p0 [sflag:s0], s1  }
0x2a4: {  	s1 =	ssub.s32 @!p0 $0x0, s1;
	[sflag:s0] =	ssyncset.done @!p0 $0x0  }
0x2a5: {  	[sflag:s0] =	ssyncadd.s32 @!p0 s1  }
0x2a6: {  	[bflag:$0x3] =	sbarrier.arrive $0xFFFF  }
0x2a7: {  	_ =	shalt  }

</sc_bundles>
